<compile_context>
chip_gen: v7x
topology: tpu7x:2x2x1
jax: 0.10.2.dev20260603
libtpu: 0.0.44.dev20260713+nightly
codegen_flags: <defaults>
</compile_context>

<pallas_src>
import functools

import jax
import jax.numpy as jnp
from jax import lax
from jax.experimental import pallas as pl
from jax.experimental.pallas import tpu as pltpu
from jax.experimental.pallas import tpu_sc as plsc

N = 10000
E = 320000
D = 128
NC = 2
NS = 16
CW = 128
EPAD = 327680
CHT = EPAD // (CW * NC * NS)
CROWS = EPAD // CW
ROWS_A = CROWS // NS
WIN = 40
NBUF = 2
HIST = 10240
HSL = HIST // NS
NPAD = 10240
RSL = NPAD // NS

_mesh = plsc.VectorSubcoreMesh(
    core_axis_name="c", subcore_axis_name="s", num_cores=NC, num_subcores=NS
)


@functools.partial(
    pl.kernel,
    out_type=jax.ShapeDtypeStruct((2, HIST), jnp.float32),
    mesh=_mesh,
    scratch_types=[
        pltpu.VMEM((ROWS_A, CW), jnp.int32),
        pltpu.VMEM((CW,), jnp.float32),
        pltpu.VMEM_SHARED((HIST,), jnp.float32),
    ],
)
def _deg_kernel(e3, ones_h, zeros_h, out, idx_v, ones_v, hist_sh):
    c = lax.axis_index("c")
    s = lax.axis_index("s")
    pltpu.sync_copy(ones_h, ones_v)
    pltpu.sync_copy(zeros_h, hist_sh.at[pl.ds(s * HSL, HSL)])
    pltpu.sync_copy(e3.at[c, pl.ds(s * ROWS_A, ROWS_A), :], idx_v)
    plsc.subcore_barrier()

    def body(j, carry):
        pltpu.sync_copy(ones_v, hist_sh.at[idx_v.at[j]], add=True)
        return carry

    lax.fori_loop(0, ROWS_A, body, 0)
    plsc.subcore_barrier()
    pltpu.sync_copy(hist_sh.at[pl.ds(s * HSL, HSL)], out.at[c, pl.ds(s * HSL, HSL)])


@functools.partial(
    pl.kernel,
    out_type=jax.ShapeDtypeStruct((NC, NPAD, D), jnp.float32),
    mesh=_mesh,
    scratch_types=[
        pltpu.VMEM((WIN, CW), jnp.int32),
        pltpu.VMEM((WIN, CW), jnp.int32),
        [pltpu.VMEM((CW, D), jnp.float32)] * NBUF,
        [pltpu.SemaphoreType.DMA] * NBUF,
        [pltpu.SemaphoreType.DMA] * NBUF,
        pltpu.VMEM_SHARED((NPAD, D), jnp.float32),
    ],
)
def _agg_kernel(feat, e3, zrows, out, sidx_v, didx_v, rows, gsems, ssems, agg_sh):
    c = lax.axis_index("c")
    s = lax.axis_index("s")
    rbase = (c * NS + s) * CHT
    pltpu.sync_copy(zrows, agg_sh.at[pl.ds(s * RSL, RSL), :])
    plsc.subcore_barrier()

    for h in range(CHT // WIN):
        pltpu.sync_copy(e3.at[0, pl.ds(rbase + h * WIN, WIN), :], sidx_v)
        pltpu.sync_copy(e3.at[1, pl.ds(rbase + h * WIN, WIN), :], didx_v)
        for b in range(NBUF):
            pltpu.async_copy(feat.at[sidx_v.at[b]], rows[b], gsems[b])

        def body(jj, carry):
            j0 = jj * NBUF
            for b in range(NBUF):
                pltpu.make_async_copy(
                    feat.at[sidx_v.at[j0 + b]], rows[b], gsems[b]).wait()
                pltpu.sync_copy(rows[b], agg_sh.at[didx_v.at[j0 + b]], add=True)

                @pl.when(j0 + NBUF + b < WIN)
                def _():
                    pltpu.async_copy(
                        feat.at[sidx_v.at[j0 + NBUF + b]], rows[b], gsems[b])

            return carry

        lax.fori_loop(0, WIN // NBUF, body, 0)

    plsc.subcore_barrier()
    pltpu.sync_copy(
        agg_sh.at[pl.ds(s * RSL, RSL), :], out.at[c, pl.ds(s * RSL, RSL), :]
    )


def _mm(a, b):
    return lax.dot_general(
        a.astype(jnp.bfloat16), b.astype(jnp.bfloat16), (((1,), (0,)), ((), ())),
        preferred_element_type=jnp.float32,
    )


BR = 1000


def _pre_body(x_ref, w_ref, b_ref, deg_ref, o_ref):
    norm = lax.rsqrt(jnp.maximum(deg_ref[...], 1.0))
    o_ref[...] = (_mm(x_ref[...], w_ref[...]) + b_ref[...]) * norm


_pre_call = pl.pallas_call(
    _pre_body,
    grid=(N // BR,),
    in_specs=[
        pl.BlockSpec((BR, D), lambda i: (i, 0)),
        pl.BlockSpec((D, D), lambda i: (0, 0)),
        pl.BlockSpec((1, D), lambda i: (0, 0)),
        pl.BlockSpec((BR, 1), lambda i: (i, 0)),
    ],
    out_specs=pl.BlockSpec((BR, D), lambda i: (i, 0)),
    out_shape=jax.ShapeDtypeStruct((NPAD, D), jnp.float32),
)


def _post_body(aggp_ref, deg_ref, w_ref, xd_ref, w2_ref, b2_ref, wr_ref,
               br_ref, bias_ref, o_ref, w2r_s, c_s):
    i = pl.program_id(0)

    @pl.when(i == 0)
    def _():
        w2r_s[...] = _mm(w2_ref[...], wr_ref[...])
        c_s[...] = _mm(b2_ref[...], wr_ref[...]) + br_ref[...] + bias_ref[...]

    a = aggp_ref[0] + aggp_ref[1]
    norm = lax.rsqrt(jnp.maximum(deg_ref[...], 1.0))
    rst = _mm(a, w_ref[...]) * norm
    o_ref[...] = rst + _mm(xd_ref[...], w2r_s[...]) + c_s[...]


_post_call = pl.pallas_call(
    _post_body,
    grid=(N // BR,),
    in_specs=[
        pl.BlockSpec((NC, BR, D), lambda i: (0, i, 0)),
        pl.BlockSpec((BR, 1), lambda i: (i, 0)),
        pl.BlockSpec((D, D), lambda i: (0, 0)),
        pl.BlockSpec((BR, D), lambda i: (i, 0)),
        pl.BlockSpec((D, D), lambda i: (0, 0)),
        pl.BlockSpec((1, D), lambda i: (0, 0)),
        pl.BlockSpec((D, D), lambda i: (0, 0)),
        pl.BlockSpec((1, D), lambda i: (0, 0)),
        pl.BlockSpec((1, D), lambda i: (0, 0)),
    ],
    out_specs=pl.BlockSpec((BR, D), lambda i: (i, 0)),
    out_shape=jax.ShapeDtypeStruct((N, D), jnp.float32),
    scratch_shapes=[
        pltpu.VMEM((D, D), jnp.float32),
        pltpu.VMEM((1, D), jnp.float32),
    ],
)


def kernel(x_src, x_dst, edge_index, W1, b1, W2, b2, W_res, b_res, weight, bias):
    ei = edge_index.astype(jnp.int32)
    spread = N + (jnp.arange(EPAD - E, dtype=jnp.int32) % (NPAD - N))
    pad = jnp.stack([spread, spread])
    e3 = jnp.concatenate([ei, pad], axis=1).reshape(2, CROWS, CW)
    ones_h = jnp.ones((CW,), jnp.float32)
    zhist = jnp.zeros((HSL,), jnp.float32)
    zrows = jnp.zeros((RSL, D), jnp.float32)

    deg = _deg_kernel(e3, ones_h, zhist)
    feat = _pre_call(x_src, W1, b1.reshape(1, D), deg[0, :N, None])
    aggp = _agg_kernel(feat, e3, zrows)
    out = _post_call(aggp, deg[1, :N, None], weight, x_dst, W2,
                     b2.reshape(1, D), W_res, b_res.reshape(1, D),
                     bias.reshape(1, D))
    return out

# --- scband reference (transcript-rebuilt; emitter-appended) ---
"""Pipeline reference for scband-dglhgcnblock-81097572483651 (READ-ONLY COPY).

The authoritative reference and input builder live on the scoring server;
editing this copy changes nothing except your own understanding.
"""

import jax, jax.numpy as jnp
import numpy as np

N_SRC = 10000
N_DST = 10000
E = 320000
SRC_DIM = 128
DST_DIM = 128
IN_FEATS = 128
OUT_FEATS = 128


def _glorot(k, shape):
    limit = float(np.sqrt(6.0 / (shape[0] + shape[1])))
    return jax.random.uniform(k, shape, jnp.float32, -limit, limit)


def setup_inputs(seed: int = 0) -> dict:
    key = jax.random.key(seed)
    ks = jax.random.split(key, 8)
    x_src = jax.random.normal(ks[0], (N_SRC, SRC_DIM), jnp.float32)
    x_dst = jax.random.normal(ks[1], (N_DST, DST_DIM), jnp.float32)
    edge_index = jax.random.randint(ks[2], (2, E), 0, N_SRC)
    W1 = _glorot(ks[3], (SRC_DIM, IN_FEATS))
    b1 = jnp.zeros((IN_FEATS,), jnp.float32)
    W2 = _glorot(ks[4], (DST_DIM, IN_FEATS))
    b2 = jnp.zeros((IN_FEATS,), jnp.float32)
    W_res = _glorot(ks[5], (IN_FEATS, OUT_FEATS))
    b_res = jnp.zeros((OUT_FEATS,), jnp.float32)
    weight = _glorot(ks[6], (IN_FEATS, OUT_FEATS))
    bias = jnp.zeros((OUT_FEATS,), jnp.float32)
    return {"x_src": x_src, "x_dst": x_dst, "edge_index": edge_index,
            "W1": W1, "b1": b1, "W2": W2, "b2": b2,
            "W_res": W_res, "b_res": b_res, "weight": weight, "bias": bias}


def reference(x_src, x_dst, edge_index, W1, b1, W2, b2, W_res, b_res, weight, bias):
    n_src = x_src.shape[0]
    n_dst = x_dst.shape[0]
    src = edge_index[0]
    dst = edge_index[1]
    # linear1 / linear2
    feat_src = x_src @ W1 + b1
    feat_dst = x_dst @ W2 + b2
    # out-degree symmetric normalization ('both')
    deg_out = jnp.maximum(jnp.bincount(src, length=n_src).astype(jnp.float32), 1.0)
    norm_out = deg_out ** -0.5
    feat_src = feat_src * norm_out[:, None]
    # in_feats (128) is NOT > out_feats (128): aggregate first, then matmul
    msg = feat_src[src]                                   # gather over src nodes
    rst = jax.ops.segment_sum(msg, dst, num_segments=n_dst)  # scatter-add to dst
    rst = rst @ weight
    # in-degree normalization
    deg_in = jnp.maximum(jnp.bincount(dst, length=n_dst).astype(jnp.float32), 1.0)
    norm_in = deg_in ** -0.5
    rst = rst * norm_in[:, None]
    # residual path + bias
    rst = rst + (feat_dst @ W_res + b_res)
    rst = rst + bias
    return rst

if __name__ == "__main__":
    import jax
    _d = setup_inputs()
    print(jax.jit(kernel)(*tuple(_d.values())))

</pallas_src>

<mosaic_0001>
#map = affine_map<(d0, d1) -> (0, 0, 0)>
#map1 = affine_map<(d0, d1) -> (0)>
#map2 = affine_map<(d0, d1) -> (0, 0)>
module attributes {stable_mosaic.version = 14 : i64} {
  func.func @_deg_kernel(%arg0: i32, %arg1: i32, %arg2: memref<2x2560x128xi32, #tpu.memory_space<hbm>>, %arg3: memref<128xf32, #tpu.memory_space<hbm>>, %arg4: memref<640xf32, #tpu.memory_space<hbm>>, %arg5: memref<2x10240xf32, #tpu.memory_space<hbm>>, %arg6: memref<160x128xi32, #tpu.memory_space<vmem>>, %arg7: memref<128xf32, #tpu.memory_space<vmem>>, %arg8: memref<10240xf32, #tpu.memory_space<vmem_shared>>) attributes {dimension_semantics = [#tpu.dimension_semantics<core_parallel>, #tpu.dimension_semantics<subcore_parallel>], iteration_bounds = array<i64: 2, 16>, scalar_prefetch = 0 : i64, scratch_operands = 3 : i64, tpu.core_type = #tpu.core_type<sc_vector_subcore>, window_params = [{transform_indices = #map}, {transform_indices = #map1}, {transform_indices = #map1}, {transform_indices = #map2}]} {
    "tpu.region"() ({
      %run_scoped3A = tpu.sem_alloc : memref<!tpu.dma_semaphore, #tpu.memory_space<semaphore_mem>>
      tpu.enqueue_dma source(%arg3 : memref<128xf32, #tpu.memory_space<hbm>>) target(%arg7 : memref<128xf32, #tpu.memory_space<vmem>>) target_semaphore(%run_scoped3A : memref<!tpu.dma_semaphore, #tpu.memory_space<semaphore_mem>>)
      tpu.wait_dma2 semaphore(%run_scoped3A : memref<!tpu.dma_semaphore, #tpu.memory_space<semaphore_mem>>) src(%arg3 : memref<128xf32, #tpu.memory_space<hbm>>) dst(%arg7 : memref<128xf32, #tpu.memory_space<vmem>>)
      tpu.yield
    }) : () -> ()
    %mul3A = arith.constant 640 : i32
    %mul3A_0 = arith.muli %arg1, %mul3A : i32
    "tpu.region"() ({
      %run_scoped3A = tpu.sem_alloc : memref<!tpu.dma_semaphore, #tpu.memory_space<semaphore_mem>>
      %dma_start3A = tpu.memref_slice %arg8[%mul3A_0] : memref<10240xf32, #tpu.memory_space<vmem_shared>> -> memref<640xf32, #tpu.memory_space<vmem_shared>>
      tpu.enqueue_dma source(%arg4 : memref<640xf32, #tpu.memory_space<hbm>>) target(%dma_start3A : memref<640xf32, #tpu.memory_space<vmem_shared>>) target_semaphore(%run_scoped3A : memref<!tpu.dma_semaphore, #tpu.memory_space<semaphore_mem>>)
      %dma_wait3A = tpu.memref_slice %arg8[%mul3A_0] : memref<10240xf32, #tpu.memory_space<vmem_shared>> -> memref<640xf32, #tpu.memory_space<vmem_shared>>
      tpu.wait_dma2 semaphore(%run_scoped3A : memref<!tpu.dma_semaphore, #tpu.memory_space<semaphore_mem>>) src(%arg4 : memref<640xf32, #tpu.memory_space<hbm>>) dst(%dma_wait3A : memref<640xf32, #tpu.memory_space<vmem_shared>>)
      tpu.yield
    }) : () -> ()
    %mul3A_1 = arith.constant 160 : i32
    %mul3A_2 = arith.muli %arg1, %mul3A_1 : i32
    "tpu.region"() ({
      %run_scoped3A = tpu.sem_alloc : memref<!tpu.dma_semaphore, #tpu.memory_space<semaphore_mem>>
      %dma_start3A = arith.constant 0 : i32
      %dma_start3A_13 = tpu.memref_slice %arg2[%arg0, %mul3A_2, %dma_start3A] : memref<2x2560x128xi32, #tpu.memory_space<hbm>> -> memref<1x160x128xi32, #tpu.memory_space<hbm>>
      %dma_start3A_14 = tpu.memref_squeeze %dma_start3A_13 : memref<1x160x128xi32, #tpu.memory_space<hbm>> -> memref<160x128xi32, #tpu.memory_space<hbm>>
      %dma_start3A_15 = arith.constant 0 : i32
      %dma_start3A_16 = tpu.memref_slice %arg2[%arg0, %mul3A_2, %dma_start3A_15] : memref<2x2560x128xi32, #tpu.memory_space<hbm>> -> memref<1x160x128xi32, #tpu.memory_space<hbm>>
      %dma_start3A_17 = tpu.memref_squeeze %dma_start3A_16 : memref<1x160x128xi32, #tpu.memory_space<hbm>> -> memref<160x128xi32, #tpu.memory_space<hbm>>
      tpu.enqueue_dma source(%dma_start3A_17 : memref<160x128xi32, #tpu.memory_space<hbm>>) target(%arg6 : memref<160x128xi32, #tpu.memory_space<vmem>>) target_semaphore(%run_scoped3A : memref<!tpu.dma_semaphore, #tpu.memory_space<semaphore_mem>>)
      %dma_wait3A = arith.constant 0 : i32
      %dma_wait3A_18 = tpu.memref_slice %arg2[%arg0, %mul3A_2, %dma_wait3A] : memref<2x2560x128xi32, #tpu.memory_space<hbm>> -> memref<1x160x128xi32, #tpu.memory_space<hbm>>
      %dma_wait3A_19 = tpu.memref_squeeze %dma_wait3A_18 : memref<1x160x128xi32, #tpu.memory_space<hbm>> -> memref<160x128xi32, #tpu.memory_space<hbm>>
      %dma_wait3A_20 = arith.constant 0 : i32
      %dma_wait3A_21 = tpu.memref_slice %arg2[%arg0, %mul3A_2, %dma_wait3A_20] : memref<2x2560x128xi32, #tpu.memory_space<hbm>> -> memref<1x160x128xi32, #tpu.memory_space<hbm>>
      %dma_wait3A_22 = tpu.memref_squeeze %dma_wait3A_21 : memref<1x160x128xi32, #tpu.memory_space<hbm>> -> memref<160x128xi32, #tpu.memory_space<hbm>>
      tpu.wait_dma2 semaphore(%run_scoped3A : memref<!tpu.dma_semaphore, #tpu.memory_space<semaphore_mem>>) src(%dma_wait3A_22 : memref<160x128xi32, #tpu.memory_space<hbm>>) dst(%arg6 : memref<160x128xi32, #tpu.memory_space<vmem>>)
      tpu.yield
    }) : () -> ()
    %barrier3A = arith.constant 0 : index
    tpu.barrier barrier_id(%barrier3A)
    %scan3A = arith.constant 0 : i32
    %scan3A_3 = arith.constant 0 : i32
    %scan3A_4 = arith.constant 160 : i32
    %scan3A_5 = arith.addi %scan3A_3, %scan3A_4 : i32
    %scan3A_6 = arith.constant 1 : i32
    scf.for %scan3A_13 = %scan3A_3 to %scan3A_5 step %scan3A_6  : i32 {
      "tpu.region"() ({
        %run_scoped3A = tpu.sem_alloc : memref<!tpu.dma_semaphore, #tpu.memory_space<semaphore_mem>>
        %dma_start3A = arith.constant 0 : i32
        %dma_start3A_14 = tpu.memref_slice %arg6[%scan3A_13, %dma_start3A] : memref<160x128xi32, #tpu.memory_space<vmem>> -> memref<1x128xi32, #tpu.memory_space<vmem>>
        %dma_start3A_15 = tpu.memref_squeeze %dma_start3A_14 : memref<1x128xi32, #tpu.memory_space<vmem>> -> memref<128xi32, #tpu.memory_space<vmem>>
        %dma_start3A_16 = arith.constant 0 : i32
        %dma_start3A_17 = tpu.memref_slice %arg8[%dma_start3A_16] : memref<10240xf32, #tpu.memory_space<vmem_shared>> -> memref<10240xf32, #tpu.memory_space<vmem_shared>>
        tpu.enqueue_indirect_dma source(%arg7 : memref<128xf32, #tpu.memory_space<vmem>>) target(%dma_start3A_17 : memref<10240xf32, #tpu.memory_space<vmem_shared>>) offsets(%dma_start3A_15 : memref<128xi32, #tpu.memory_space<vmem>>) semaphore(%run_scoped3A : memref<!tpu.dma_semaphore, #tpu.memory_space<semaphore_mem>>) {add = true}
        %dma_wait3A = arith.constant 0 : i32
        %dma_wait3A_18 = tpu.memref_slice %arg6[%scan3A_13, %dma_wait3A] : memref<160x128xi32, #tpu.memory_space<vmem>> -> memref<1x128xi32, #tpu.memory_space<vmem>>
        %dma_wait3A_19 = tpu.memref_squeeze %dma_wait3A_18 : memref<1x128xi32, #tpu.memory_space<vmem>> -> memref<128xi32, #tpu.memory_space<vmem>>
        %dma_wait3A_20 = arith.constant 0 : i32
        %dma_wait3A_21 = tpu.memref_slice %arg8[%dma_wait3A_20] : memref<10240xf32, #tpu.memory_space<vmem_shared>> -> memref<10240xf32, #tpu.memory_space<vmem_shared>>
        tpu.wait_indirect_dma semaphore(%run_scoped3A : memref<!tpu.dma_semaphore, #tpu.memory_space<semaphore_mem>>) src(%arg7 : memref<128xf32, #tpu.memory_space<vmem>>) dst(%dma_wait3A_21 : memref<10240xf32, #tpu.memory_space<vmem_shared>>)
        tpu.yield
      }) : () -> ()
    }
    %scan3A_7 = arith.constant 160 : i32
    %barrier3A_8 = arith.constant 0 : index
    tpu.barrier barrier_id(%barrier3A_8)
    %mul3A_9 = arith.constant 640 : i32
    %mul3A_10 = arith.muli %arg1, %mul3A_9 : i32
    %mul3A_11 = arith.constant 640 : i32
    %mul3A_12 = arith.muli %arg1, %mul3A_11 : i32
    "tpu.region"() ({
      %run_scoped3A = tpu.sem_alloc : memref<!tpu.dma_semaphore, #tpu.memory_space<semaphore_mem>>
      %dma_start3A = tpu.memref_slice %arg5[%arg0, %mul3A_12] : memref<2x10240xf32, #tpu.memory_space<hbm>> -> memref<1x640xf32, #tpu.memory_space<hbm>>
      %dma_start3A_13 = tpu.memref_squeeze %dma_start3A : memref<1x640xf32, #tpu.memory_space<hbm>> -> memref<640xf32, #tpu.memory_space<hbm>>
      %dma_start3A_14 = tpu.memref_slice %arg8[%mul3A_10] : memref<10240xf32, #tpu.memory_space<vmem_shared>> -> memref<640xf32, #tpu.memory_space<vmem_shared>>
      tpu.enqueue_dma source(%dma_start3A_14 : memref<640xf32, #tpu.memory_space<vmem_shared>>) target(%dma_start3A_13 : memref<640xf32, #tpu.memory_space<hbm>>) target_semaphore(%run_scoped3A : memref<!tpu.dma_semaphore, #tpu.memory_space<semaphore_mem>>)
      %dma_wait3A = tpu.memref_slice %arg5[%arg0, %mul3A_12] : memref<2x10240xf32, #tpu.memory_space<hbm>> -> memref<1x640xf32, #tpu.memory_space<hbm>>
      %dma_wait3A_15 = tpu.memref_squeeze %dma_wait3A : memref<1x640xf32, #tpu.memory_space<hbm>> -> memref<640xf32, #tpu.memory_space<hbm>>
      %dma_wait3A_16 = tpu.memref_slice %arg8[%mul3A_10] : memref<10240xf32, #tpu.memory_space<vmem_shared>> -> memref<640xf32, #tpu.memory_space<vmem_shared>>
      tpu.wait_dma2 semaphore(%run_scoped3A : memref<!tpu.dma_semaphore, #tpu.memory_space<semaphore_mem>>) src(%dma_wait3A_16 : memref<640xf32, #tpu.memory_space<vmem_shared>>) dst(%dma_wait3A_15 : memref<640xf32, #tpu.memory_space<hbm>>)
      tpu.yield
    }) : () -> ()
    return
  }
}

#map = affine_map<(d0, d1) -> (0, 0)>
#map1 = affine_map<(d0, d1) -> (0, 0, 0)>
module attributes {stable_mosaic.version = 14 : i64} {
  func.func @_agg_kernel(%arg0: i32, %arg1: i32, %arg2: memref<10240x128xf32, #tpu.memory_space<hbm>>, %arg3: memref<2x2560x128xi32, #tpu.memory_space<hbm>>, %arg4: memref<640x128xf32, #tpu.memory_space<hbm>>, %arg5: memref<2x10240x128xf32, #tpu.memory_space<hbm>>, %arg6: memref<40x128xi32, #tpu.memory_space<vmem>>, %arg7: memref<40x128xi32, #tpu.memory_space<vmem>>, %arg8: memref<128x128xf32, #tpu.memory_space<vmem>>, %arg9: memref<128x128xf32, #tpu.memory_space<vmem>>, %arg10: memref<!tpu.dma_semaphore, #tpu.memory_space<semaphore_mem>>, %arg11: memref<!tpu.dma_semaphore, #tpu.memory_space<semaphore_mem>>, %arg12: memref<!tpu.dma_semaphore, #tpu.memory_space<semaphore_mem>>, %arg13: memref<!tpu.dma_semaphore, #tpu.memory_space<semaphore_mem>>, %arg14: memref<10240x128xf32, #tpu.memory_space<vmem_shared>>) attributes {dimension_semantics = [#tpu.dimension_semantics<core_parallel>, #tpu.dimension_semantics<subcore_parallel>], iteration_bounds = array<i64: 2, 16>, scalar_prefetch = 0 : i64, scratch_operands = 9 : i64, tpu.core_type = #tpu.core_type<sc_vector_subcore>, window_params = [{transform_indices = #map}, {transform_indices = #map1}, {transform_indices = #map}, {transform_indices = #map1}]} {
    %mul3A = arith.constant 16 : i32
    %mul3A_0 = arith.muli %arg0, %mul3A : i32
    %add3A = arith.addi %mul3A_0, %arg1 : i32
    %mul3A_1 = arith.constant 80 : i32
    %mul3A_2 = arith.muli %add3A, %mul3A_1 : i32
    %mul3A_3 = arith.constant 640 : i32
    %mul3A_4 = arith.muli %arg1, %mul3A_3 : i32
    "tpu.region"() ({
      %run_scoped3A_59 = tpu.sem_alloc : memref<!tpu.dma_semaphore, #tpu.memory_space<semaphore_mem>>
      %dma_start3A_60 = arith.constant 0 : i32
      %dma_start3A_61 = tpu.memref_slice %arg14[%mul3A_4, %dma_start3A_60] : memref<10240x128xf32, #tpu.memory_space<vmem_shared>> -> memref<640x128xf32, #tpu.memory_space<vmem_shared>>
      tpu.enqueue_dma source(%arg4 : memref<640x128xf32, #tpu.memory_space<hbm>>) target(%dma_start3A_61 : memref<640x128xf32, #tpu.memory_space<vmem_shared>>) target_semaphore(%run_scoped3A_59 : memref<!tpu.dma_semaphore, #tpu.memory_space<semaphore_mem>>)
      %dma_wait3A = arith.constant 0 : i32
      %dma_wait3A_62 = tpu.memref_slice %arg14[%mul3A_4, %dma_wait3A] : memref<10240x128xf32, #tpu.memory_space<vmem_shared>> -> memref<640x128xf32, #tpu.memory_space<vmem_shared>>
      tpu.wait_dma2 semaphore(%run_scoped3A_59 : memref<!tpu.dma_semaphore, #tpu.memory_space<semaphore_mem>>) src(%arg4 : memref<640x128xf32, #tpu.memory_space<hbm>>) dst(%dma_wait3A_62 : memref<640x128xf32, #tpu.memory_space<vmem_shared>>)
      tpu.yield
    }) : () -> ()
    %barrier3A = arith.constant 0 : index
    tpu.barrier barrier_id(%barrier3A)
    %add3A_5 = arith.constant 0 : i32
    %add3A_6 = arith.addi %mul3A_2, %add3A_5 : i32
    %run_scoped3A = arith.constant 0 : i32
    "tpu.region"() ({
      %run_scoped3A_59 = tpu.sem_alloc : memref<!tpu.dma_semaphore, #tpu.memory_space<semaphore_mem>>
      %dma_start3A_60 = arith.constant 0 : i32
      %dma_start3A_61 = tpu.memref_slice %arg3[%run_scoped3A, %add3A_6, %dma_start3A_60] : memref<2x2560x128xi32, #tpu.memory_space<hbm>> -> memref<1x40x128xi32, #tpu.memory_space<hbm>>
      %dma_start3A_62 = tpu.memref_squeeze %dma_start3A_61 : memref<1x40x128xi32, #tpu.memory_space<hbm>> -> memref<40x128xi32, #tpu.memory_space<hbm>>
      %dma_start3A_63 = arith.constant 0 : i32
      %dma_start3A_64 = tpu.memref_slice %arg3[%run_scoped3A, %add3A_6, %dma_start3A_63] : memref<2x2560x128xi32, #tpu.memory_space<hbm>> -> memref<1x40x128xi32, #tpu.memory_space<hbm>>
      %dma_start3A_65 = tpu.memref_squeeze %dma_start3A_64 : memref<1x40x128xi32, #tpu.memory_space<hbm>> -> memref<40x128xi32, #tpu.memory_space<hbm>>
      tpu.enqueue_dma source(%dma_start3A_65 : memref<40x128xi32, #tpu.memory_space<hbm>>) target(%arg6 : memref<40x128xi32, #tpu.memory_space<vmem>>) target_semaphore(%run_scoped3A_59 : memref<!tpu.dma_semaphore, #tpu.memory_space<semaphore_mem>>)
      %dma_wait3A = arith.constant 0 : i32
      %dma_wait3A_66 = tpu.memref_slice %arg3[%run_scoped3A, %add3A_6, %dma_wait3A] : memref<2x2560x128xi32, #tpu.memory_space<hbm>> -> memref<1x40x128xi32, #tpu.memory_space<hbm>>
      %dma_wait3A_67 = tpu.memref_squeeze %dma_wait3A_66 : memref<1x40x128xi32, #tpu.memory_space<hbm>> -> memref<40x128xi32, #tpu.memory_space<hbm>>
      %dma_wait3A_68 = arith.constant 0 : i32
      %dma_wait3A_69 = tpu.memref_slice %arg3[%run_scoped3A, %add3A_6, %dma_wait3A_68] : memref<2x2560x128xi32, #tpu.memory_space<hbm>> -> memref<1x40x128xi32, #tpu.memory_space<hbm>>
      %dma_wait3A_70 = tpu.memref_squeeze %dma_wait3A_69 : memref<1x40x128xi32, #tpu.memory_space<hbm>> -> memref<40x128xi32, #tpu.memory_space<hbm>>
      tpu.wait_dma2 semaphore(%run_scoped3A_59 : memref<!tpu.dma_semaphore, #tpu.memory_space<semaphore_mem>>) src(%dma_wait3A_70 : memref<40x128xi32, #tpu.memory_space<hbm>>) dst(%arg6 : memref<40x128xi32, #tpu.memory_space<vmem>>)
      tpu.yield
    }) : () -> ()
    %add3A_7 = arith.constant 0 : i32
    %add3A_8 = arith.addi %mul3A_2, %add3A_7 : i32
    %run_scoped3A_9 = arith.constant 1 : i32
    "tpu.region"() ({
      %run_scoped3A_59 = tpu.sem_alloc : memref<!tpu.dma_semaphore, #tpu.memory_space<semaphore_mem>>
      %dma_start3A_60 = arith.constant 0 : i32
      %dma_start3A_61 = tpu.memref_slice %arg3[%run_scoped3A_9, %add3A_8, %dma_start3A_60] : memref<2x2560x128xi32, #tpu.memory_space<hbm>> -> memref<1x40x128xi32, #tpu.memory_space<hbm>>
      %dma_start3A_62 = tpu.memref_squeeze %dma_start3A_61 : memref<1x40x128xi32, #tpu.memory_space<hbm>> -> memref<40x128xi32, #tpu.memory_space<hbm>>
      %dma_start3A_63 = arith.constant 0 : i32
      %dma_start3A_64 = tpu.memref_slice %arg3[%run_scoped3A_9, %add3A_8, %dma_start3A_63] : memref<2x2560x128xi32, #tpu.memory_space<hbm>> -> memref<1x40x128xi32, #tpu.memory_space<hbm>>
      %dma_start3A_65 = tpu.memref_squeeze %dma_start3A_64 : memref<1x40x128xi32, #tpu.memory_space<hbm>> -> memref<40x128xi32, #tpu.memory_space<hbm>>
      tpu.enqueue_dma source(%dma_start3A_65 : memref<40x128xi32, #tpu.memory_space<hbm>>) target(%arg7 : memref<40x128xi32, #tpu.memory_space<vmem>>) target_semaphore(%run_scoped3A_59 : memref<!tpu.dma_semaphore, #tpu.memory_space<semaphore_mem>>)
      %dma_wait3A = arith.constant 0 : i32
      %dma_wait3A_66 = tpu.memref_slice %arg3[%run_scoped3A_9, %add3A_8, %dma_wait3A] : memref<2x2560x128xi32, #tpu.memory_space<hbm>> -> memref<1x40x128xi32, #tpu.memory_space<hbm>>
      %dma_wait3A_67 = tpu.memref_squeeze %dma_wait3A_66 : memref<1x40x128xi32, #tpu.memory_space<hbm>> -> memref<40x128xi32, #tpu.memory_space<hbm>>
      %dma_wait3A_68 = arith.constant 0 : i32
      %dma_wait3A_69 = tpu.memref_slice %arg3[%run_scoped3A_9, %add3A_8, %dma_wait3A_68] : memref<2x2560x128xi32, #tpu.memory_space<hbm>> -> memref<1x40x128xi32, #tpu.memory_space<hbm>>
      %dma_wait3A_70 = tpu.memref_squeeze %dma_wait3A_69 : memref<1x40x128xi32, #tpu.memory_space<hbm>> -> memref<40x128xi32, #tpu.memory_space<hbm>>
      tpu.wait_dma2 semaphore(%run_scoped3A_59 : memref<!tpu.dma_semaphore, #tpu.memory_space<semaphore_mem>>) src(%dma_wait3A_70 : memref<40x128xi32, #tpu.memory_space<hbm>>) dst(%arg7 : memref<40x128xi32, #tpu.memory_space<vmem>>)
      tpu.yield
    }) : () -> ()
    %dma_start3A = arith.constant 0 : i32
    %dma_start3A_10 = arith.constant 0 : i32
    %dma_start3A_11 = tpu.memref_slice %arg6[%dma_start3A, %dma_start3A_10] : memref<40x128xi32, #tpu.memory_space<vmem>> -> memref<1x128xi32, #tpu.memory_space<vmem>>
    %dma_start3A_12 = tpu.memref_squeeze %dma_start3A_11 : memref<1x128xi32, #tpu.memory_space<vmem>> -> memref<128xi32, #tpu.memory_space<vmem>>
    %dma_start3A_13 = arith.constant 0 : i32
    %dma_start3A_14 = arith.constant 0 : i32
    %dma_start3A_15 = tpu.memref_slice %arg2[%dma_start3A_13, %dma_start3A_14] : memref<10240x128xf32, #tpu.memory_space<hbm>> -> memref<10240x128xf32, #tpu.memory_space<hbm>>
    tpu.enqueue_indirect_dma source(%dma_start3A_15 : memref<10240x128xf32, #tpu.memory_space<hbm>>) target(%arg8 : memref<128x128xf32, #tpu.memory_space<vmem>>) offsets(%dma_start3A_12 : memref<128xi32, #tpu.memory_space<vmem>>) semaphore(%arg10 : memref<!tpu.dma_semaphore, #tpu.memory_space<semaphore_mem>>)
    %dma_start3A_16 = arith.constant 1 : i32
    %dma_start3A_17 = arith.constant 0 : i32
    %dma_start3A_18 = tpu.memref_slice %arg6[%dma_start3A_16, %dma_start3A_17] : memref<40x128xi32, #tpu.memory_space<vmem>> -> memref<1x128xi32, #tpu.memory_space<vmem>>
    %dma_start3A_19 = tpu.memref_squeeze %dma_start3A_18 : memref<1x128xi32, #tpu.memory_space<vmem>> -> memref<128xi32, #tpu.memory_space<vmem>>
    %dma_start3A_20 = arith.constant 0 : i32
    %dma_start3A_21 = arith.constant 0 : i32
    %dma_start3A_22 = tpu.memref_slice %arg2[%dma_start3A_20, %dma_start3A_21] : memref<10240x128xf32, #tpu.memory_space<hbm>> -> memref<10240x128xf32, #tpu.memory_space<hbm>>
    tpu.enqueue_indirect_dma source(%dma_start3A_22 : memref<10240x128xf32, #tpu.memory_space<hbm>>) target(%arg9 : memref<128x128xf32, #tpu.memory_space<vmem>>) offsets(%dma_start3A_19 : memref<128xi32, #tpu.memory_space<vmem>>) semaphore(%arg11 : memref<!tpu.dma_semaphore, #tpu.memory_space<semaphore_mem>>)
    %scan3A = arith.constant 0 : i32
    %scan3A_23 = arith.constant 0 : i32
    %scan3A_24 = arith.constant 20 : i32
    %scan3A_25 = arith.addi %scan3A_23, %scan3A_24 : i32
    %scan3A_26 = arith.constant 1 : i32
    scf.for %scan3A_59 = %scan3A_23 to %scan3A_25 step %scan3A_26  : i32 {
      %mul3A_60 = arith.constant 2 : i32
      %mul3A_61 = arith.muli %scan3A_59, %mul3A_60 : i32
      %add3A_62 = arith.constant 0 : i32
      %add3A_63 = arith.addi %mul3A_61, %add3A_62 : i32
      %dma_wait3A = arith.constant 0 : i32
      %dma_wait3A_64 = tpu.memref_slice %arg6[%add3A_63, %dma_wait3A] : memref<40x128xi32, #tpu.memory_space<vmem>> -> memref<1x128xi32, #tpu.memory_space<vmem>>
      %dma_wait3A_65 = tpu.memref_squeeze %dma_wait3A_64 : memref<1x128xi32, #tpu.memory_space<vmem>> -> memref<128xi32, #tpu.memory_space<vmem>>
      %dma_wait3A_66 = arith.constant 0 : i32
      %dma_wait3A_67 = arith.constant 0 : i32
      %dma_wait3A_68 = tpu.memref_slice %arg2[%dma_wait3A_66, %dma_wait3A_67] : memref<10240x128xf32, #tpu.memory_space<hbm>> -> memref<10240x128xf32, #tpu.memory_space<hbm>>
      tpu.wait_indirect_dma semaphore(%arg10 : memref<!tpu.dma_semaphore, #tpu.memory_space<semaphore_mem>>) src(%dma_wait3A_68 : memref<10240x128xf32, #tpu.memory_space<hbm>>) dst(%arg8 : memref<128x128xf32, #tpu.memory_space<vmem>>)
      %add3A_69 = arith.constant 0 : i32
      %add3A_70 = arith.addi %mul3A_61, %add3A_69 : i32
      "tpu.region"() ({
        %run_scoped3A_96 = tpu.sem_alloc : memref<!tpu.dma_semaphore, #tpu.memory_space<semaphore_mem>>
        %dma_start3A_97 = arith.constant 0 : i32
        %dma_start3A_98 = tpu.memref_slice %arg7[%add3A_70, %dma_start3A_97] : memref<40x128xi32, #tpu.memory_space<vmem>> -> memref<1x128xi32, #tpu.memory_space<vmem>>
        %dma_start3A_99 = tpu.memref_squeeze %dma_start3A_98 : memref<1x128xi32, #tpu.memory_space<vmem>> -> memref<128xi32, #tpu.memory_space<vmem>>
        %dma_start3A_100 = arith.constant 0 : i32
        %dma_start3A_101 = arith.constant 0 : i32
        %dma_start3A_102 = tpu.memref_slice %arg14[%dma_start3A_100, %dma_start3A_101] : memref<10240x128xf32, #tpu.memory_space<vmem_shared>> -> memref<10240x128xf32, #tpu.memory_space<vmem_shared>>
        tpu.enqueue_indirect_dma source(%arg8 : memref<128x128xf32, #tpu.memory_space<vmem>>) target(%dma_start3A_102 : memref<10240x128xf32, #tpu.memory_space<vmem_shared>>) offsets(%dma_start3A_99 : memref<128xi32, #tpu.memory_space<vmem>>) semaphore(%run_scoped3A_96 : memref<!tpu.dma_semaphore, #tpu.memory_space<semaphore_mem>>) {add = true}
        %dma_wait3A_103 = arith.constant 0 : i32
        %dma_wait3A_104 = tpu.memref_slice %arg7[%add3A_70, %dma_wait3A_103] : memref<40x128xi32, #tpu.memory_space<vmem>> -> memref<1x128xi32, #tpu.memory_space<vmem>>
        %dma_wait3A_105 = tpu.memref_squeeze %dma_wait3A_104 : memref<1x128xi32, #tpu.memory_space<vmem>> -> memref<128xi32, #tpu.memory_space<vmem>>
        %dma_wait3A_106 = arith.constant 0 : i32
        %dma_wait3A_107 = arith.constant 0 : i32
        %dma_wait3A_108 = tpu.memref_slice %arg14[%dma_wait3A_106, %dma_wait3A_107] : memref<10240x128xf32, #tpu.memory_space<vmem_shared>> -> memref<10240x128xf32, #tpu.memory_space<vmem_shared>>
        tpu.wait_indirect_dma semaphore(%run_scoped3A_96 : memref<!tpu.dma_semaphore, #tpu.memory_space<semaphore_mem>>) src(%arg8 : memref<128x128xf32, #tpu.memory_space<vmem>>) dst(%dma_wait3A_108 : memref<10240x128xf32, #tpu.memory_space<vmem_shared>>)
        tpu.yield
      }) : () -> ()
      %add3A_71 = arith.constant 2 : i32
      %add3A_72 = arith.addi %mul3A_61, %add3A_71 : i32
      %add3A_73 = arith.constant 0 : i32
      %add3A_74 = arith.addi %add3A_72, %add3A_73 : i32
      %lt3A = arith.constant 40 : i32
      %lt3A_75 = arith.cmpi slt, %add3A_74, %lt3A : i32
      %convert_element_type3A = arith.extui %lt3A_75 : i1 to i32
      %cond3A = arith.constant 0 : i32
      %cond3A_76 = arith.cmpi ne, %convert_element_type3A, %cond3A : i32
      scf.if %cond3A_76 {
        %add3A_96 = arith.constant 2 : i32
        %add3A_97 = arith.addi %mul3A_61, %add3A_96 : i32
        %add3A_98 = arith.constant 0 : i32
        %add3A_99 = arith.addi %add3A_97, %add3A_98 : i32
        %dma_start3A_100 = arith.constant 0 : i32
        %dma_start3A_101 = tpu.memref_slice %arg6[%add3A_99, %dma_start3A_100] : memref<40x128xi32, #tpu.memory_space<vmem>> -> memref<1x128xi32, #tpu.memory_space<vmem>>
        %dma_start3A_102 = tpu.memref_squeeze %dma_start3A_101 : memref<1x128xi32, #tpu.memory_space<vmem>> -> memref<128xi32, #tpu.memory_space<vmem>>
        %dma_start3A_103 = arith.constant 0 : i32
        %dma_start3A_104 = arith.constant 0 : i32
        %dma_start3A_105 = tpu.memref_slice %arg2[%dma_start3A_103, %dma_start3A_104] : memref<10240x128xf32, #tpu.memory_space<hbm>> -> memref<10240x128xf32, #tpu.memory_space<hbm>>
        tpu.enqueue_indirect_dma source(%dma_start3A_105 : memref<10240x128xf32, #tpu.memory_space<hbm>>) target(%arg8 : memref<128x128xf32, #tpu.memory_space<vmem>>) offsets(%dma_start3A_102 : memref<128xi32, #tpu.memory_space<vmem>>) semaphore(%arg10 : memref<!tpu.dma_semaphore, #tpu.memory_space<semaphore_mem>>)
      } else {
      }
      %add3A_77 = arith.constant 1 : i32
      %add3A_78 = arith.addi %mul3A_61, %add3A_77 : i32
      %dma_wait3A_79 = arith.constant 0 : i32
      %dma_wait3A_80 = tpu.memref_slice %arg6[%add3A_78, %dma_wait3A_79] : memref<40x128xi32, #tpu.memory_space<vmem>> -> memref<1x128xi32, #tpu.memory_space<vmem>>
      %dma_wait3A_81 = tpu.memref_squeeze %dma_wait3A_80 : memref<1x128xi32, #tpu.memory_space<vmem>> -> memref<128xi32, #tpu.memory_space<vmem>>
      %dma_wait3A_82 = arith.constant 0 : i32
      %dma_wait3A_83 = arith.constant 0 : i32
      %dma_wait3A_84 = tpu.memref_slice %arg2[%dma_wait3A_82, %dma_wait3A_83] : memref<10240x128xf32, #tpu.memory_space<hbm>> -> memref<10240x128xf32, #tpu.memory_space<hbm>>
      tpu.wait_indirect_dma semaphore(%arg11 : memref<!tpu.dma_semaphore, #tpu.memory_space<semaphore_mem>>) src(%dma_wait3A_84 : memref<10240x128xf32, #tpu.memory_space<hbm>>) dst(%arg9 : memref<128x128xf32, #tpu.memory_space<vmem>>)
      %add3A_85 = arith.constant 1 : i32
      %add3A_86 = arith.addi %mul3A_61, %add3A_85 : i32
      "tpu.region"() ({
        %run_scoped3A_96 = tpu.sem_alloc : memref<!tpu.dma_semaphore, #tpu.memory_space<semaphore_mem>>
        %dma_start3A_97 = arith.constant 0 : i32
        %dma_start3A_98 = tpu.memref_slice %arg7[%add3A_86, %dma_start3A_97] : memref<40x128xi32, #tpu.memory_space<vmem>> -> memref<1x128xi32, #tpu.memory_space<vmem>>
        %dma_start3A_99 = tpu.memref_squeeze %dma_start3A_98 : memref<1x128xi32, #tpu.memory_space<vmem>> -> memref<128xi32, #tpu.memory_space<vmem>>
        %dma_start3A_100 = arith.constant 0 : i32
        %dma_start3A_101 = arith.constant 0 : i32
        %dma_start3A_102 = tpu.memref_slice %arg14[%dma_start3A_100, %dma_start3A_101] : memref<10240x128xf32, #tpu.memory_space<vmem_shared>> -> memref<10240x128xf32, #tpu.memory_space<vmem_shared>>
        tpu.enqueue_indirect_dma source(%arg9 : memref<128x128xf32, #tpu.memory_space<vmem>>) target(%dma_start3A_102 : memref<10240x128xf32, #tpu.memory_space<vmem_shared>>) offsets(%dma_start3A_99 : memref<128xi32, #tpu.memory_space<vmem>>) semaphore(%run_scoped3A_96 : memref<!tpu.dma_semaphore, #tpu.memory_space<semaphore_mem>>) {add = true}
        %dma_wait3A_103 = arith.constant 0 : i32
        %dma_wait3A_104 = tpu.memref_slice %arg7[%add3A_86, %dma_wait3A_103] : memref<40x128xi32, #tpu.memory_space<vmem>> -> memref<1x128xi32, #tpu.memory_space<vmem>>
        %dma_wait3A_105 = tpu.memref_squeeze %dma_wait3A_104 : memref<1x128xi32, #tpu.memory_space<vmem>> -> memref<128xi32, #tpu.memory_space<vmem>>
        %dma_wait3A_106 = arith.constant 0 : i32
        %dma_wait3A_107 = arith.constant 0 : i32
        %dma_wait3A_108 = tpu.memref_slice %arg14[%dma_wait3A_106, %dma_wait3A_107] : memref<10240x128xf32, #tpu.memory_space<vmem_shared>> -> memref<10240x128xf32, #tpu.memory_space<vmem_shared>>
        tpu.wait_indirect_dma semaphore(%run_scoped3A_96 : memref<!tpu.dma_semaphore, #tpu.memory_space<semaphore_mem>>) src(%arg9 : memref<128x128xf32, #tpu.memory_space<vmem>>) dst(%dma_wait3A_108 : memref<10240x128xf32, #tpu.memory_space<vmem_shared>>)
        tpu.yield
      }) : () -> ()
      %add3A_87 = arith.constant 2 : i32
      %add3A_88 = arith.addi %mul3A_61, %add3A_87 : i32
      %add3A_89 = arith.constant 1 : i32
      %add3A_90 = arith.addi %add3A_88, %add3A_89 : i32
      %lt3A_91 = arith.constant 40 : i32
      %lt3A_92 = arith.cmpi slt, %add3A_90, %lt3A_91 : i32
      %convert_element_type3A_93 = arith.extui %lt3A_92 : i1 to i32
      %cond3A_94 = arith.constant 0 : i32
      %cond3A_95 = arith.cmpi ne, %convert_element_type3A_93, %cond3A_94 : i32
      scf.if %cond3A_95 {
        %add3A_96 = arith.constant 2 : i32
        %add3A_97 = arith.addi %mul3A_61, %add3A_96 : i32
        %add3A_98 = arith.constant 1 : i32
        %add3A_99 = arith.addi %add3A_97, %add3A_98 : i32
        %dma_start3A_100 = arith.constant 0 : i32
        %dma_start3A_101 = tpu.memref_slice %arg6[%add3A_99, %dma_start3A_100] : memref<40x128xi32, #tpu.memory_space<vmem>> -> memref<1x128xi32, #tpu.memory_space<vmem>>
        %dma_start3A_102 = tpu.memref_squeeze %dma_start3A_101 : memref<1x128xi32, #tpu.memory_space<vmem>> -> memref<128xi32, #tpu.memory_space<vmem>>
        %dma_start3A_103 = arith.constant 0 : i32
        %dma_start3A_104 = arith.constant 0 : i32
        %dma_start3A_105 = tpu.memref_slice %arg2[%dma_start3A_103, %dma_start3A_104] : memref<10240x128xf32, #tpu.memory_space<hbm>> -> memref<10240x128xf32, #tpu.memory_space<hbm>>
        tpu.enqueue_indirect_dma source(%dma_start3A_105 : memref<10240x128xf32, #tpu.memory_space<hbm>>) target(%arg9 : memref<128x128xf32, #tpu.memory_space<vmem>>) offsets(%dma_start3A_102 : memref<128xi32, #tpu.memory_space<vmem>>) semaphore(%arg11 : memref<!tpu.dma_semaphore, #tpu.memory_space<semaphore_mem>>)
      } else {
      }
    }
    %scan3A_27 = arith.constant 20 : i32
    %add3A_28 = arith.constant 40 : i32
    %add3A_29 = arith.addi %mul3A_2, %add3A_28 : i32
    %run_scoped3A_30 = arith.constant 0 : i32
    "tpu.region"() ({
      %run_scoped3A_59 = tpu.sem_alloc : memref<!tpu.dma_semaphore, #tpu.memory_space<semaphore_mem>>
      %dma_start3A_60 = arith.constant 0 : i32
      %dma_start3A_61 = tpu.memref_slice %arg3[%run_scoped3A_30, %add3A_29, %dma_start3A_60] : memref<2x2560x128xi32, #tpu.memory_space<hbm>> -> memref<1x40x128xi32, #tpu.memory_space<hbm>>
      %dma_start3A_62 = tpu.memref_squeeze %dma_start3A_61 : memref<1x40x128xi32, #tpu.memory_space<hbm>> -> memref<40x128xi32, #tpu.memory_space<hbm>>
      %dma_start3A_63 = arith.constant 0 : i32
      %dma_start3A_64 = tpu.memref_slice %arg3[%run_scoped3A_30, %add3A_29, %dma_start3A_63] : memref<2x2560x128xi32, #tpu.memory_space<hbm>> -> memref<1x40x128xi32, #tpu.memory_space<hbm>>
      %dma_start3A_65 = tpu.memref_squeeze %dma_start3A_64 : memref<1x40x128xi32, #tpu.memory_space<hbm>> -> memref<40x128xi32, #tpu.memory_space<hbm>>
      tpu.enqueue_dma source(%dma_start3A_65 : memref<40x128xi32, #tpu.memory_space<hbm>>) target(%arg6 : memref<40x128xi32, #tpu.memory_space<vmem>>) target_semaphore(%run_scoped3A_59 : memref<!tpu.dma_semaphore, #tpu.memory_space<semaphore_mem>>)
      %dma_wait3A = arith.constant 0 : i32
      %dma_wait3A_66 = tpu.memref_slice %arg3[%run_scoped3A_30, %add3A_29, %dma_wait3A] : memref<2x2560x128xi32, #tpu.memory_space<hbm>> -> memref<1x40x128xi32, #tpu.memory_space<hbm>>
      %dma_wait3A_67 = tpu.memref_squeeze %dma_wait3A_66 : memref<1x40x128xi32, #tpu.memory_space<hbm>> -> memref<40x128xi32, #tpu.memory_space<hbm>>
      %dma_wait3A_68 = arith.constant 0 : i32
      %dma_wait3A_69 = tpu.memref_slice %arg3[%run_scoped3A_30, %add3A_29, %dma_wait3A_68] : memref<2x2560x128xi32, #tpu.memory_space<hbm>> -> memref<1x40x128xi32, #tpu.memory_space<hbm>>
      %dma_wait3A_70 = tpu.memref_squeeze %dma_wait3A_69 : memref<1x40x128xi32, #tpu.memory_space<hbm>> -> memref<40x128xi32, #tpu.memory_space<hbm>>
      tpu.wait_dma2 semaphore(%run_scoped3A_59 : memref<!tpu.dma_semaphore, #tpu.memory_space<semaphore_mem>>) src(%dma_wait3A_70 : memref<40x128xi32, #tpu.memory_space<hbm>>) dst(%arg6 : memref<40x128xi32, #tpu.memory_space<vmem>>)
      tpu.yield
    }) : () -> ()
    %add3A_31 = arith.constant 40 : i32
    %add3A_32 = arith.addi %mul3A_2, %add3A_31 : i32
    %run_scoped3A_33 = arith.constant 1 : i32
    "tpu.region"() ({
      %run_scoped3A_59 = tpu.sem_alloc : memref<!tpu.dma_semaphore, #tpu.memory_space<semaphore_mem>>
      %dma_start3A_60 = arith.constant 0 : i32
      %dma_start3A_61 = tpu.memref_slice %arg3[%run_scoped3A_33, %add3A_32, %dma_start3A_60] : memref<2x2560x128xi32, #tpu.memory_space<hbm>> -> memref<1x40x128xi32, #tpu.memory_space<hbm>>
      %dma_start3A_62 = tpu.memref_squeeze %dma_start3A_61 : memref<1x40x128xi32, #tpu.memory_space<hbm>> -> memref<40x128xi32, #tpu.memory_space<hbm>>
      %dma_start3A_63 = arith.constant 0 : i32
      %dma_start3A_64 = tpu.memref_slice %arg3[%run_scoped3A_33, %add3A_32, %dma_start3A_63] : memref<2x2560x128xi32, #tpu.memory_space<hbm>> -> memref<1x40x128xi32, #tpu.memory_space<hbm>>
      %dma_start3A_65 = tpu.memref_squeeze %dma_start3A_64 : memref<1x40x128xi32, #tpu.memory_space<hbm>> -> memref<40x128xi32, #tpu.memory_space<hbm>>
      tpu.enqueue_dma source(%dma_start3A_65 : memref<40x128xi32, #tpu.memory_space<hbm>>) target(%arg7 : memref<40x128xi32, #tpu.memory_space<vmem>>) target_semaphore(%run_scoped3A_59 : memref<!tpu.dma_semaphore, #tpu.memory_space<semaphore_mem>>)
      %dma_wait3A = arith.constant 0 : i32
      %dma_wait3A_66 = tpu.memref_slice %arg3[%run_scoped3A_33, %add3A_32, %dma_wait3A] : memref<2x2560x128xi32, #tpu.memory_space<hbm>> -> memref<1x40x128xi32, #tpu.memory_space<hbm>>
      %dma_wait3A_67 = tpu.memref_squeeze %dma_wait3A_66 : memref<1x40x128xi32, #tpu.memory_space<hbm>> -> memref<40x128xi32, #tpu.memory_space<hbm>>
      %dma_wait3A_68 = arith.constant 0 : i32
      %dma_wait3A_69 = tpu.memref_slice %arg3[%run_scoped3A_33, %add3A_32, %dma_wait3A_68] : memref<2x2560x128xi32, #tpu.memory_space<hbm>> -> memref<1x40x128xi32, #tpu.memory_space<hbm>>
      %dma_wait3A_70 = tpu.memref_squeeze %dma_wait3A_69 : memref<1x40x128xi32, #tpu.memory_space<hbm>> -> memref<40x128xi32, #tpu.memory_space<hbm>>
      tpu.wait_dma2 semaphore(%run_scoped3A_59 : memref<!tpu.dma_semaphore, #tpu.memory_space<semaphore_mem>>) src(%dma_wait3A_70 : memref<40x128xi32, #tpu.memory_space<hbm>>) dst(%arg7 : memref<40x128xi32, #tpu.memory_space<vmem>>)
      tpu.yield
    }) : () -> ()
    %dma_start3A_34 = arith.constant 0 : i32
    %dma_start3A_35 = arith.constant 0 : i32
    %dma_start3A_36 = tpu.memref_slice %arg6[%dma_start3A_34, %dma_start3A_35] : memref<40x128xi32, #tpu.memory_space<vmem>> -> memref<1x128xi32, #tpu.memory_space<vmem>>
    %dma_start3A_37 = tpu.memref_squeeze %dma_start3A_36 : memref<1x128xi32, #tpu.memory_space<vmem>> -> memref<128xi32, #tpu.memory_space<vmem>>
    %dma_start3A_38 = arith.constant 0 : i32
    %dma_start3A_39 = arith.constant 0 : i32
    %dma_start3A_40 = tpu.memref_slice %arg2[%dma_start3A_38, %dma_start3A_39] : memref<10240x128xf32, #tpu.memory_space<hbm>> -> memref<10240x128xf32, #tpu.memory_space<hbm>>
    tpu.enqueue_indirect_dma source(%dma_start3A_40 : memref<10240x128xf32, #tpu.memory_space<hbm>>) target(%arg8 : memref<128x128xf32, #tpu.memory_space<vmem>>) offsets(%dma_start3A_37 : memref<128xi32, #tpu.memory_space<vmem>>) semaphore(%arg10 : memref<!tpu.dma_semaphore, #tpu.memory_space<semaphore_mem>>)
    %dma_start3A_41 = arith.constant 1 : i32
    %dma_start3A_42 = arith.constant 0 : i32
    %dma_start3A_43 = tpu.memref_slice %arg6[%dma_start3A_41, %dma_start3A_42] : memref<40x128xi32, #tpu.memory_space<vmem>> -> memref<1x128xi32, #tpu.memory_space<vmem>>
    %dma_start3A_44 = tpu.memref_squeeze %dma_start3A_43 : memref<1x128xi32, #tpu.memory_space<vmem>> -> memref<128xi32, #tpu.memory_space<vmem>>
    %dma_start3A_45 = arith.constant 0 : i32
    %dma_start3A_46 = arith.constant 0 : i32
    %dma_start3A_47 = tpu.memref_slice %arg2[%dma_start3A_45, %dma_start3A_46] : memref<10240x128xf32, #tpu.memory_space<hbm>> -> memref<10240x128xf32, #tpu.memory_space<hbm>>
    tpu.enqueue_indirect_dma source(%dma_start3A_47 : memref<10240x128xf32, #tpu.memory_space<hbm>>) target(%arg9 : memref<128x128xf32, #tpu.memory_space<vmem>>) offsets(%dma_start3A_44 : memref<128xi32, #tpu.memory_space<vmem>>) semaphore(%arg11 : memref<!tpu.dma_semaphore, #tpu.memory_space<semaphore_mem>>)
    %scan3A_48 = arith.constant 0 : i32
    %scan3A_49 = arith.constant 0 : i32
    %scan3A_50 = arith.constant 20 : i32
    %scan3A_51 = arith.addi %scan3A_49, %scan3A_50 : i32
    %scan3A_52 = arith.constant 1 : i32
    scf.for %scan3A_59 = %scan3A_49 to %scan3A_51 step %scan3A_52  : i32 {
      %mul3A_60 = arith.constant 2 : i32
      %mul3A_61 = arith.muli %scan3A_59, %mul3A_60 : i32
      %add3A_62 = arith.constant 0 : i32
      %add3A_63 = arith.addi %mul3A_61, %add3A_62 : i32
      %dma_wait3A = arith.constant 0 : i32
      %dma_wait3A_64 = tpu.memref_slice %arg6[%add3A_63, %dma_wait3A] : memref<40x128xi32, #tpu.memory_space<vmem>> -> memref<1x128xi32, #tpu.memory_space<vmem>>
      %dma_wait3A_65 = tpu.memref_squeeze %dma_wait3A_64 : memref<1x128xi32, #tpu.memory_space<vmem>> -> memref<128xi32, #tpu.memory_space<vmem>>
      %dma_wait3A_66 = arith.constant 0 : i32
      %dma_wait3A_67 = arith.constant 0 : i32
      %dma_wait3A_68 = tpu.memref_slice %arg2[%dma_wait3A_66, %dma_wait3A_67] : memref<10240x128xf32, #tpu.memory_space<hbm>> -> memref<10240x128xf32, #tpu.memory_space<hbm>>
      tpu.wait_indirect_dma semaphore(%arg10 : memref<!tpu.dma_semaphore, #tpu.memory_space<semaphore_mem>>) src(%dma_wait3A_68 : memref<10240x128xf32, #tpu.memory_space<hbm>>) dst(%arg8 : memref<128x128xf32, #tpu.memory_space<vmem>>)
      %add3A_69 = arith.constant 0 : i32
      %add3A_70 = arith.addi %mul3A_61, %add3A_69 : i32
      "tpu.region"() ({
        %run_scoped3A_96 = tpu.sem_alloc : memref<!tpu.dma_semaphore, #tpu.memory_space<semaphore_mem>>
        %dma_start3A_97 = arith.constant 0 : i32
        %dma_start3A_98 = tpu.memref_slice %arg7[%add3A_70, %dma_start3A_97] : memref<40x128xi32, #tpu.memory_space<vmem>> -> memref<1x128xi32, #tpu.memory_space<vmem>>
        %dma_start3A_99 = tpu.memref_squeeze %dma_start3A_98 : memref<1x128xi32, #tpu.memory_space<vmem>> -> memref<128xi32, #tpu.memory_space<vmem>>
        %dma_start3A_100 = arith.constant 0 : i32
        %dma_start3A_101 = arith.constant 0 : i32
        %dma_start3A_102 = tpu.memref_slice %arg14[%dma_start3A_100, %dma_start3A_101] : memref<10240x128xf32, #tpu.memory_space<vmem_shared>> -> memref<10240x128xf32, #tpu.memory_space<vmem_shared>>
        tpu.enqueue_indirect_dma source(%arg8 : memref<128x128xf32, #tpu.memory_space<vmem>>) target(%dma_start3A_102 : memref<10240x128xf32, #tpu.memory_space<vmem_shared>>) offsets(%dma_start3A_99 : memref<128xi32, #tpu.memory_space<vmem>>) semaphore(%run_scoped3A_96 : memref<!tpu.dma_semaphore, #tpu.memory_space<semaphore_mem>>) {add = true}
        %dma_wait3A_103 = arith.constant 0 : i32
        %dma_wait3A_104 = tpu.memref_slice %arg7[%add3A_70, %dma_wait3A_103] : memref<40x128xi32, #tpu.memory_space<vmem>> -> memref<1x128xi32, #tpu.memory_space<vmem>>
        %dma_wait3A_105 = tpu.memref_squeeze %dma_wait3A_104 : memref<1x128xi32, #tpu.memory_space<vmem>> -> memref<128xi32, #tpu.memory_space<vmem>>
        %dma_wait3A_106 = arith.constant 0 : i32
        %dma_wait3A_107 = arith.constant 0 : i32
        %dma_wait3A_108 = tpu.memref_slice %arg14[%dma_wait3A_106, %dma_wait3A_107] : memref<10240x128xf32, #tpu.memory_space<vmem_shared>> -> memref<10240x128xf32, #tpu.memory_space<vmem_shared>>
        tpu.wait_indirect_dma semaphore(%run_scoped3A_96 : memref<!tpu.dma_semaphore, #tpu.memory_space<semaphore_mem>>) src(%arg8 : memref<128x128xf32, #tpu.memory_space<vmem>>) dst(%dma_wait3A_108 : memref<10240x128xf32, #tpu.memory_space<vmem_shared>>)
        tpu.yield
      }) : () -> ()
      %add3A_71 = arith.constant 2 : i32
      %add3A_72 = arith.addi %mul3A_61, %add3A_71 : i32
      %add3A_73 = arith.constant 0 : i32
      %add3A_74 = arith.addi %add3A_72, %add3A_73 : i32
      %lt3A = arith.constant 40 : i32
      %lt3A_75 = arith.cmpi slt, %add3A_74, %lt3A : i32
      %convert_element_type3A = arith.extui %lt3A_75 : i1 to i32
      %cond3A = arith.constant 0 : i32
      %cond3A_76 = arith.cmpi ne, %convert_element_type3A, %cond3A : i32
      scf.if %cond3A_76 {
        %add3A_96 = arith.constant 2 : i32
        %add3A_97 = arith.addi %mul3A_61, %add3A_96 : i32
        %add3A_98 = arith.constant 0 : i32
        %add3A_99 = arith.addi %add3A_97, %add3A_98 : i32
        %dma_start3A_100 = arith.constant 0 : i32
        %dma_start3A_101 = tpu.memref_slice %arg6[%add3A_99, %dma_start3A_100] : memref<40x128xi32, #tpu.memory_space<vmem>> -> memref<1x128xi32, #tpu.memory_space<vmem>>
        %dma_start3A_102 = tpu.memref_squeeze %dma_start3A_101 : memref<1x128xi32, #tpu.memory_space<vmem>> -> memref<128xi32, #tpu.memory_space<vmem>>
        %dma_start3A_103 = arith.constant 0 : i32
        %dma_start3A_104 = arith.constant 0 : i32
        %dma_start3A_105 = tpu.memref_slice %arg2[%dma_start3A_103, %dma_start3A_104] : memref<10240x128xf32, #tpu.memory_space<hbm>> -> memref<10240x128xf32, #tpu.memory_space<hbm>>
        tpu.enqueue_indirect_dma source(%dma_start3A_105 : memref<10240x128xf32, #tpu.memory_space<hbm>>) target(%arg8 : memref<128x128xf32, #tpu.memory_space<vmem>>) offsets(%dma_start3A_102 : memref<128xi32, #tpu.memory_space<vmem>>) semaphore(%arg10 : memref<!tpu.dma_semaphore, #tpu.memory_space<semaphore_mem>>)
      } else {
      }
      %add3A_77 = arith.constant 1 : i32
      %add3A_78 = arith.addi %mul3A_61, %add3A_77 : i32
      %dma_wait3A_79 = arith.constant 0 : i32
      %dma_wait3A_80 = tpu.memref_slice %arg6[%add3A_78, %dma_wait3A_79] : memref<40x128xi32, #tpu.memory_space<vmem>> -> memref<1x128xi32, #tpu.memory_space<vmem>>
      %dma_wait3A_81 = tpu.memref_squeeze %dma_wait3A_80 : memref<1x128xi32, #tpu.memory_space<vmem>> -> memref<128xi32, #tpu.memory_space<vmem>>
      %dma_wait3A_82 = arith.constant 0 : i32
      %dma_wait3A_83 = arith.constant 0 : i32
      %dma_wait3A_84 = tpu.memref_slice %arg2[%dma_wait3A_82, %dma_wait3A_83] : memref<10240x128xf32, #tpu.memory_space<hbm>> -> memref<10240x128xf32, #tpu.memory_space<hbm>>
      tpu.wait_indirect_dma semaphore(%arg11 : memref<!tpu.dma_semaphore, #tpu.memory_space<semaphore_mem>>) src(%dma_wait3A_84 : memref<10240x128xf32, #tpu.memory_space<hbm>>) dst(%arg9 : memref<128x128xf32, #tpu.memory_space<vmem>>)
      %add3A_85 = arith.constant 1 : i32
      %add3A_86 = arith.addi %mul3A_61, %add3A_85 : i32
      "tpu.region"() ({
        %run_scoped3A_96 = tpu.sem_alloc : memref<!tpu.dma_semaphore, #tpu.memory_space<semaphore_mem>>
        %dma_start3A_97 = arith.constant 0 : i32
        %dma_start3A_98 = tpu.memref_slice %arg7[%add3A_86, %dma_start3A_97] : memref<40x128xi32, #tpu.memory_space<vmem>> -> memref<1x128xi32, #tpu.memory_space<vmem>>
        %dma_start3A_99 = tpu.memref_squeeze %dma_start3A_98 : memref<1x128xi32, #tpu.memory_space<vmem>> -> memref<128xi32, #tpu.memory_space<vmem>>
        %dma_start3A_100 = arith.constant 0 : i32
        %dma_start3A_101 = arith.constant 0 : i32
        %dma_start3A_102 = tpu.memref_slice %arg14[%dma_start3A_100, %dma_start3A_101] : memref<10240x128xf32, #tpu.memory_space<vmem_shared>> -> memref<10240x128xf32, #tpu.memory_space<vmem_shared>>
        tpu.enqueue_indirect_dma source(%arg9 : memref<128x128xf32, #tpu.memory_space<vmem>>) target(%dma_start3A_102 : memref<10240x128xf32, #tpu.memory_space<vmem_shared>>) offsets(%dma_start3A_99 : memref<128xi32, #tpu.memory_space<vmem>>) semaphore(%run_scoped3A_96 : memref<!tpu.dma_semaphore, #tpu.memory_space<semaphore_mem>>) {add = true}
        %dma_wait3A_103 = arith.constant 0 : i32
        %dma_wait3A_104 = tpu.memref_slice %arg7[%add3A_86, %dma_wait3A_103] : memref<40x128xi32, #tpu.memory_space<vmem>> -> memref<1x128xi32, #tpu.memory_space<vmem>>
        %dma_wait3A_105 = tpu.memref_squeeze %dma_wait3A_104 : memref<1x128xi32, #tpu.memory_space<vmem>> -> memref<128xi32, #tpu.memory_space<vmem>>
        %dma_wait3A_106 = arith.constant 0 : i32
        %dma_wait3A_107 = arith.constant 0 : i32
        %dma_wait3A_108 = tpu.memref_slice %arg14[%dma_wait3A_106, %dma_wait3A_107] : memref<10240x128xf32, #tpu.memory_space<vmem_shared>> -> memref<10240x128xf32, #tpu.memory_space<vmem_shared>>
        tpu.wait_indirect_dma semaphore(%run_scoped3A_96 : memref<!tpu.dma_semaphore, #tpu.memory_space<semaphore_mem>>) src(%arg9 : memref<128x128xf32, #tpu.memory_space<vmem>>) dst(%dma_wait3A_108 : memref<10240x128xf32, #tpu.memory_space<vmem_shared>>)
        tpu.yield
      }) : () -> ()
      %add3A_87 = arith.constant 2 : i32
      %add3A_88 = arith.addi %mul3A_61, %add3A_87 : i32
      %add3A_89 = arith.constant 1 : i32
      %add3A_90 = arith.addi %add3A_88, %add3A_89 : i32
      %lt3A_91 = arith.constant 40 : i32
      %lt3A_92 = arith.cmpi slt, %add3A_90, %lt3A_91 : i32
      %convert_element_type3A_93 = arith.extui %lt3A_92 : i1 to i32
      %cond3A_94 = arith.constant 0 : i32
      %cond3A_95 = arith.cmpi ne, %convert_element_type3A_93, %cond3A_94 : i32
      scf.if %cond3A_95 {
        %add3A_96 = arith.constant 2 : i32
        %add3A_97 = arith.addi %mul3A_61, %add3A_96 : i32
        %add3A_98 = arith.constant 1 : i32
        %add3A_99 = arith.addi %add3A_97, %add3A_98 : i32
        %dma_start3A_100 = arith.constant 0 : i32
        %dma_start3A_101 = tpu.memref_slice %arg6[%add3A_99, %dma_start3A_100] : memref<40x128xi32, #tpu.memory_space<vmem>> -> memref<1x128xi32, #tpu.memory_space<vmem>>
        %dma_start3A_102 = tpu.memref_squeeze %dma_start3A_101 : memref<1x128xi32, #tpu.memory_space<vmem>> -> memref<128xi32, #tpu.memory_space<vmem>>
        %dma_start3A_103 = arith.constant 0 : i32
        %dma_start3A_104 = arith.constant 0 : i32
        %dma_start3A_105 = tpu.memref_slice %arg2[%dma_start3A_103, %dma_start3A_104] : memref<10240x128xf32, #tpu.memory_space<hbm>> -> memref<10240x128xf32, #tpu.memory_space<hbm>>
        tpu.enqueue_indirect_dma source(%dma_start3A_105 : memref<10240x128xf32, #tpu.memory_space<hbm>>) target(%arg9 : memref<128x128xf32, #tpu.memory_space<vmem>>) offsets(%dma_start3A_102 : memref<128xi32, #tpu.memory_space<vmem>>) semaphore(%arg11 : memref<!tpu.dma_semaphore, #tpu.memory_space<semaphore_mem>>)
      } else {
      }
    }
    %scan3A_53 = arith.constant 20 : i32
    %barrier3A_54 = arith.constant 0 : index
    tpu.barrier barrier_id(%barrier3A_54)
    %mul3A_55 = arith.constant 640 : i32
    %mul3A_56 = arith.muli %arg1, %mul3A_55 : i32
    %mul3A_57 = arith.constant 640 : i32
    %mul3A_58 = arith.muli %arg1, %mul3A_57 : i32
    "tpu.region"() ({
      %run_scoped3A_59 = tpu.sem_alloc : memref<!tpu.dma_semaphore, #tpu.memory_space<semaphore_mem>>
      %dma_start3A_60 = arith.constant 0 : i32
      %dma_start3A_61 = tpu.memref_slice %arg5[%arg0, %mul3A_58, %dma_start3A_60] : memref<2x10240x128xf32, #tpu.memory_space<hbm>> -> memref<1x640x128xf32, #tpu.memory_space<hbm>>
      %dma_start3A_62 = tpu.memref_squeeze %dma_start3A_61 : memref<1x640x128xf32, #tpu.memory_space<hbm>> -> memref<640x128xf32, #tpu.memory_space<hbm>>
      %dma_start3A_63 = arith.constant 0 : i32
      %dma_start3A_64 = tpu.memref_slice %arg14[%mul3A_56, %dma_start3A_63] : memref<10240x128xf32, #tpu.memory_space<vmem_shared>> -> memref<640x128xf32, #tpu.memory_space<vmem_shared>>
      tpu.enqueue_dma source(%dma_start3A_64 : memref<640x128xf32, #tpu.memory_space<vmem_shared>>) target(%dma_start3A_62 : memref<640x128xf32, #tpu.memory_space<hbm>>) target_semaphore(%run_scoped3A_59 : memref<!tpu.dma_semaphore, #tpu.memory_space<semaphore_mem>>)
      %dma_wait3A = arith.constant 0 : i32
      %dma_wait3A_65 = tpu.memref_slice %arg5[%arg0, %mul3A_58, %dma_wait3A] : memref<2x10240x128xf32, #tpu.memory_space<hbm>> -> memref<1x640x128xf32, #tpu.memory_space<hbm>>
      %dma_wait3A_66 = tpu.memref_squeeze %dma_wait3A_65 : memref<1x640x128xf32, #tpu.memory_space<hbm>> -> memref<640x128xf32, #tpu.memory_space<hbm>>
      %dma_wait3A_67 = arith.constant 0 : i32
      %dma_wait3A_68 = tpu.memref_slice %arg14[%mul3A_56, %dma_wait3A_67] : memref<10240x128xf32, #tpu.memory_space<vmem_shared>> -> memref<640x128xf32, #tpu.memory_space<vmem_shared>>
      tpu.wait_dma2 semaphore(%run_scoped3A_59 : memref<!tpu.dma_semaphore, #tpu.memory_space<semaphore_mem>>) src(%dma_wait3A_68 : memref<640x128xf32, #tpu.memory_space<vmem_shared>>) dst(%dma_wait3A_66 : memref<640x128xf32, #tpu.memory_space<hbm>>)
      tpu.yield
    }) : () -> ()
    return
  }
}

module attributes {stable_mosaic.version = 14 : i64} {
  func.func @_pre_body(%arg0: i32, %arg1: memref<1000x128xf32, #tpu.memory_space<vmem>>, %arg2: memref<128x128xf32, #tpu.memory_space<vmem>>, %arg3: memref<1x128xf32, #tpu.memory_space<vmem>>, %arg4: memref<1000x1xf32, #tpu.memory_space<vmem>>, %arg5: memref<1000x128xf32, #tpu.memory_space<vmem>>) attributes {dimension_semantics = [#tpu.dimension_semantics<arbitrary>], iteration_bounds = array<i64: 10>, scalar_prefetch = 0 : i64, scratch_operands = 0 : i64, tpu.core_type = #tpu.core_type<tc>, window_params = [{transform_indices = @transform_0, window_bounds = array<i64: 1000, 128>}, {pipeline_mode = #tpu.pipeline_mode<synchronous>, transform_indices = @transform_1, window_bounds = array<i64: 128, 128>}, {pipeline_mode = #tpu.pipeline_mode<synchronous>, transform_indices = @transform_2, window_bounds = array<i64: 1, 128>}, {transform_indices = @transform_3, window_bounds = array<i64: 1000, 1>}, {transform_indices = @transform_4, window_bounds = array<i64: 1000, 128>}]} {
    %get3A = arith.constant 0 : index
    %get3A_0 = arith.constant 0 : index
    %get3A_1 = vector.load %arg4[%get3A, %get3A_0] : memref<1000x1xf32, #tpu.memory_space<vmem>>, vector<1000x1xf32>
    %max3A = arith.constant 1.000000e+00 : f32
    %max3A_2 = vector.broadcast %max3A : f32 to vector<1000x1xf32>
    %max3A_3 = arith.maximumf %get3A_1, %max3A_2 : vector<1000x1xf32>
    %rsqrt3A = math.rsqrt %max3A_3 : vector<1000x1xf32>
    %get3A_4 = arith.constant 0 : index
    %get3A_5 = arith.constant 0 : index
    %get3A_6 = vector.load %arg1[%get3A_4, %get3A_5] : memref<1000x128xf32, #tpu.memory_space<vmem>>, vector<1000x128xf32>
    %get3A_7 = arith.constant 0 : index
    %get3A_8 = arith.constant 0 : index
    %get3A_9 = vector.load %arg2[%get3A_7, %get3A_8] : memref<128x128xf32, #tpu.memory_space<vmem>>, vector<128x128xf32>
    %convert_element_type3A = arith.truncf %get3A_6 : vector<1000x128xf32> to vector<1000x128xbf16>
    %convert_element_type3A_10 = arith.truncf %get3A_9 : vector<128x128xf32> to vector<128x128xbf16>
    %dot_general3A = arith.constant dense<0.000000e+00> : vector<1000x128xf32>
    %dot_general3A_11 = tpu.matmul %convert_element_type3A, %convert_element_type3A_10, %dot_general3A {dimension_numbers = #tpu.dot_dimension_numbers<[1], [0], [0], [1], [0, 0, 1, 1], [], []>, transpose_lhs_hint = false} : vector<1000x128xbf16>, vector<128x128xbf16>, vector<1000x128xf32> -> vector<1000x128xf32>
    %get3A_12 = arith.constant 0 : index
    %get3A_13 = arith.constant 0 : index
    %get3A_14 = vector.load %arg3[%get3A_12, %get3A_13] : memref<1x128xf32, #tpu.memory_space<vmem>>, vector<1x128xf32>
    %add3A = vector.broadcast %get3A_14 : vector<1x128xf32> to vector<1000x128xf32>
    %add3A_15 = arith.addf %dot_general3A_11, %add3A : vector<1000x128xf32>
    %mul3A = vector.broadcast %rsqrt3A : vector<1000x1xf32> to vector<1000x128xf32>
    %mul3A_16 = arith.mulf %add3A_15, %mul3A : vector<1000x128xf32>
    %swap3A = arith.constant 0 : index
    %swap3A_17 = arith.constant 0 : index
    %swap3A_18 = vector.load %arg5[%swap3A, %swap3A_17] : memref<1000x128xf32, #tpu.memory_space<vmem>>, vector<1000x128xf32>
    tpu.vector_store %arg5[%swap3A, %swap3A_17], %mul3A_16 {strides = array<i32>} : memref<1000x128xf32, #tpu.memory_space<vmem>>, vector<1000x128xf32>,
    return
  }
  func.func @transform_0(%arg0: i32) -> (i32, i32) {
    %c0_i32 = arith.constant 0 : i32
    %c0_i32_0 = arith.constant 0 : i32
    return %arg0, %c0_i32 : i32, i32
  }
  func.func @transform_1(%arg0: i32) -> (i32, i32) {
    %c0_i32 = arith.constant 0 : i32
    %c0_i32_0 = arith.constant 0 : i32
    %c0_i32_1 = arith.constant 0 : i32
    return %c0_i32, %c0_i32_0 : i32, i32
  }
  func.func @transform_2(%arg0: i32) -> (i32, i32) {
    %c0_i32 = arith.constant 0 : i32
    %c0_i32_0 = arith.constant 0 : i32
    %c0_i32_1 = arith.constant 0 : i32
    return %c0_i32, %c0_i32_0 : i32, i32
  }
  func.func @transform_3(%arg0: i32) -> (i32, i32) {
    %c0_i32 = arith.constant 0 : i32
    %c0_i32_0 = arith.constant 0 : i32
    return %arg0, %c0_i32 : i32, i32
  }
  func.func @transform_4(%arg0: i32) -> (i32, i32) {
    %c0_i32 = arith.constant 0 : i32
    %c0_i32_0 = arith.constant 0 : i32
    return %arg0, %c0_i32 : i32, i32
  }
}

module attributes {stable_mosaic.version = 14 : i64} {
  func.func @_post_body(%arg0: i32, %arg1: memref<2x1000x128xf32, #tpu.memory_space<vmem>>, %arg2: memref<1000x1xf32, #tpu.memory_space<vmem>>, %arg3: memref<128x128xf32, #tpu.memory_space<vmem>>, %arg4: memref<1000x128xf32, #tpu.memory_space<vmem>>, %arg5: memref<128x128xf32, #tpu.memory_space<vmem>>, %arg6: memref<1x128xf32, #tpu.memory_space<vmem>>, %arg7: memref<128x128xf32, #tpu.memory_space<vmem>>, %arg8: memref<1x128xf32, #tpu.memory_space<vmem>>, %arg9: memref<1x128xf32, #tpu.memory_space<vmem>>, %arg10: memref<1000x128xf32, #tpu.memory_space<vmem>>, %arg11: memref<128x128xf32, #tpu.memory_space<vmem>>, %arg12: memref<1x128xf32, #tpu.memory_space<vmem>>) attributes {dimension_semantics = [#tpu.dimension_semantics<arbitrary>], iteration_bounds = array<i64: 10>, scalar_prefetch = 0 : i64, scratch_operands = 2 : i64, tpu.core_type = #tpu.core_type<tc>, window_params = [{transform_indices = @transform_0, window_bounds = array<i64: 2, 1000, 128>}, {transform_indices = @transform_1, window_bounds = array<i64: 1000, 1>}, {pipeline_mode = #tpu.pipeline_mode<synchronous>, transform_indices = @transform_2, window_bounds = array<i64: 128, 128>}, {transform_indices = @transform_3, window_bounds = array<i64: 1000, 128>}, {pipeline_mode = #tpu.pipeline_mode<synchronous>, transform_indices = @transform_4, window_bounds = array<i64: 128, 128>}, {pipeline_mode = #tpu.pipeline_mode<synchronous>, transform_indices = @transform_5, window_bounds = array<i64: 1, 128>}, {pipeline_mode = #tpu.pipeline_mode<synchronous>, transform_indices = @transform_6, window_bounds = array<i64: 128, 128>}, {pipeline_mode = #tpu.pipeline_mode<synchronous>, transform_indices = @transform_7, window_bounds = array<i64: 1, 128>}, {pipeline_mode = #tpu.pipeline_mode<synchronous>, transform_indices = @transform_8, window_bounds = array<i64: 1, 128>}, {transform_indices = @transform_9, window_bounds = array<i64: 1000, 128>}]} {
    %eq3A = arith.constant 0 : i32
    %eq3A_0 = arith.cmpi eq, %arg0, %eq3A : i32
    %convert_element_type3A = arith.extui %eq3A_0 : i1 to i32
    %cond3A = arith.constant 0 : i32
    %cond3A_1 = arith.cmpi ne, %convert_element_type3A, %cond3A : i32
    scf.if %cond3A_1 {
      %get3A_41 = arith.constant 0 : index
      %get3A_42 = arith.constant 0 : index
      %get3A_43 = vector.load %arg5[%get3A_41, %get3A_42] : memref<128x128xf32, #tpu.memory_space<vmem>>, vector<128x128xf32>
      %get3A_44 = arith.constant 0 : index
      %get3A_45 = arith.constant 0 : index
      %get3A_46 = vector.load %arg7[%get3A_44, %get3A_45] : memref<128x128xf32, #tpu.memory_space<vmem>>, vector<128x128xf32>
      %convert_element_type3A_47 = arith.truncf %get3A_43 : vector<128x128xf32> to vector<128x128xbf16>
      %convert_element_type3A_48 = arith.truncf %get3A_46 : vector<128x128xf32> to vector<128x128xbf16>
      %dot_general3A_49 = arith.constant dense<0.000000e+00> : vector<128x128xf32>
      %dot_general3A_50 = tpu.matmul %convert_element_type3A_47, %convert_element_type3A_48, %dot_general3A_49 {dimension_numbers = #tpu.dot_dimension_numbers<[1], [0], [0], [1], [0, 0, 1, 1], [], []>, transpose_lhs_hint = false} : vector<128x128xbf16>, vector<128x128xbf16>, vector<128x128xf32> -> vector<128x128xf32>
      %swap3A_51 = arith.constant 0 : index
      %swap3A_52 = arith.constant 0 : index
      %swap3A_53 = vector.load %arg11[%swap3A_51, %swap3A_52] : memref<128x128xf32, #tpu.memory_space<vmem>>, vector<128x128xf32>
      tpu.vector_store %arg11[%swap3A_51, %swap3A_52], %dot_general3A_50 {strides = array<i32>} : memref<128x128xf32, #tpu.memory_space<vmem>>, vector<128x128xf32>,
      %get3A_54 = arith.constant 0 : index
      %get3A_55 = arith.constant 0 : index
      %get3A_56 = vector.load %arg6[%get3A_54, %get3A_55] : memref<1x128xf32, #tpu.memory_space<vmem>>, vector<1x128xf32>
      %get3A_57 = arith.constant 0 : index
      %get3A_58 = arith.constant 0 : index
      %get3A_59 = vector.load %arg7[%get3A_57, %get3A_58] : memref<128x128xf32, #tpu.memory_space<vmem>>, vector<128x128xf32>
      %convert_element_type3A_60 = arith.truncf %get3A_56 : vector<1x128xf32> to vector<1x128xbf16>
      %convert_element_type3A_61 = arith.truncf %get3A_59 : vector<128x128xf32> to vector<128x128xbf16>
      %dot_general3A_62 = arith.constant dense<0.000000e+00> : vector<1x128xf32>
      %dot_general3A_63 = tpu.matmul %convert_element_type3A_60, %convert_element_type3A_61, %dot_general3A_62 {dimension_numbers = #tpu.dot_dimension_numbers<[1], [0], [0], [1], [0, 0, 1, 1], [], []>, transpose_lhs_hint = false} : vector<1x128xbf16>, vector<128x128xbf16>, vector<1x128xf32> -> vector<1x128xf32>
      %get3A_64 = arith.constant 0 : index
      %get3A_65 = arith.constant 0 : index
      %get3A_66 = vector.load %arg8[%get3A_64, %get3A_65] : memref<1x128xf32, #tpu.memory_space<vmem>>, vector<1x128xf32>
      %add3A_67 = arith.addf %dot_general3A_63, %get3A_66 : vector<1x128xf32>
      %get3A_68 = arith.constant 0 : index
      %get3A_69 = arith.constant 0 : index
      %get3A_70 = vector.load %arg9[%get3A_68, %get3A_69] : memref<1x128xf32, #tpu.memory_space<vmem>>, vector<1x128xf32>
      %add3A_71 = arith.addf %add3A_67, %get3A_70 : vector<1x128xf32>
      %swap3A_72 = arith.constant 0 : index
      %swap3A_73 = arith.constant 0 : index
      %swap3A_74 = vector.load %arg12[%swap3A_72, %swap3A_73] : memref<1x128xf32, #tpu.memory_space<vmem>>, vector<1x128xf32>
      tpu.vector_store %arg12[%swap3A_72, %swap3A_73], %add3A_71 {strides = array<i32>} : memref<1x128xf32, #tpu.memory_space<vmem>>, vector<1x128xf32>,
    } else {
    }
    %get3A = arith.constant 0 : index
    %get3A_2 = arith.constant 0 : index
    %get3A_3 = arith.constant 0 : index
    %get3A_4 = vector.load %arg1[%get3A, %get3A_2, %get3A_3] : memref<2x1000x128xf32, #tpu.memory_space<vmem>>, vector<1x1000x128xf32>
    %get3A_5 = vector.shape_cast %get3A_4 : vector<1x1000x128xf32> to vector<1000x128xf32>
    %get3A_6 = arith.constant 1 : index
    %get3A_7 = arith.constant 0 : index
    %get3A_8 = arith.constant 0 : index
    %get3A_9 = vector.load %arg1[%get3A_6, %get3A_7, %get3A_8] : memref<2x1000x128xf32, #tpu.memory_space<vmem>>, vector<1x1000x128xf32>
    %get3A_10 = vector.shape_cast %get3A_9 : vector<1x1000x128xf32> to vector<1000x128xf32>
    %add3A = arith.addf %get3A_5, %get3A_10 : vector<1000x128xf32>
    %get3A_11 = arith.constant 0 : index
    %get3A_12 = arith.constant 0 : index
    %get3A_13 = vector.load %arg2[%get3A_11, %get3A_12] : memref<1000x1xf32, #tpu.memory_space<vmem>>, vector<1000x1xf32>
    %max3A = arith.constant 1.000000e+00 : f32
    %max3A_14 = vector.broadcast %max3A : f32 to vector<1000x1xf32>
    %max3A_15 = arith.maximumf %get3A_13, %max3A_14 : vector<1000x1xf32>
    %rsqrt3A = math.rsqrt %max3A_15 : vector<1000x1xf32>
    %get3A_16 = arith.constant 0 : index
    %get3A_17 = arith.constant 0 : index
    %get3A_18 = vector.load %arg3[%get3A_16, %get3A_17] : memref<128x128xf32, #tpu.memory_space<vmem>>, vector<128x128xf32>
    %convert_element_type3A_19 = arith.truncf %add3A : vector<1000x128xf32> to vector<1000x128xbf16>
    %convert_element_type3A_20 = arith.truncf %get3A_18 : vector<128x128xf32> to vector<128x128xbf16>
    %dot_general3A = arith.constant dense<0.000000e+00> : vector<1000x128xf32>
    %dot_general3A_21 = tpu.matmul %convert_element_type3A_19, %convert_element_type3A_20, %dot_general3A {dimension_numbers = #tpu.dot_dimension_numbers<[1], [0], [0], [1], [0, 0, 1, 1], [], []>, transpose_lhs_hint = false} : vector<1000x128xbf16>, vector<128x128xbf16>, vector<1000x128xf32> -> vector<1000x128xf32>
    %mul3A = vector.broadcast %rsqrt3A : vector<1000x1xf32> to vector<1000x128xf32>
    %mul3A_22 = arith.mulf %dot_general3A_21, %mul3A : vector<1000x128xf32>
    %get3A_23 = arith.constant 0 : index
    %get3A_24 = arith.constant 0 : index
    %get3A_25 = vector.load %arg4[%get3A_23, %get3A_24] : memref<1000x128xf32, #tpu.memory_space<vmem>>, vector<1000x128xf32>
    %get3A_26 = arith.constant 0 : index
    %get3A_27 = arith.constant 0 : index
    %get3A_28 = vector.load %arg11[%get3A_26, %get3A_27] : memref<128x128xf32, #tpu.memory_space<vmem>>, vector<128x128xf32>
    %convert_element_type3A_29 = arith.truncf %get3A_25 : vector<1000x128xf32> to vector<1000x128xbf16>
    %convert_element_type3A_30 = arith.truncf %get3A_28 : vector<128x128xf32> to vector<128x128xbf16>
    %dot_general3A_31 = arith.constant dense<0.000000e+00> : vector<1000x128xf32>
    %dot_general3A_32 = tpu.matmul %convert_element_type3A_29, %convert_element_type3A_30, %dot_general3A_31 {dimension_numbers = #tpu.dot_dimension_numbers<[1], [0], [0], [1], [0, 0, 1, 1], [], []>, transpose_lhs_hint = false} : vector<1000x128xbf16>, vector<128x128xbf16>, vector<1000x128xf32> -> vector<1000x128xf32>
    %add3A_33 = arith.addf %mul3A_22, %dot_general3A_32 : vector<1000x128xf32>
    %get3A_34 = arith.constant 0 : index
    %get3A_35 = arith.constant 0 : index
    %get3A_36 = vector.load %arg12[%get3A_34, %get3A_35] : memref<1x128xf32, #tpu.memory_space<vmem>>, vector<1x128xf32>
    %add3A_37 = vector.broadcast %get3A_36 : vector<1x128xf32> to vector<1000x128xf32>
    %add3A_38 = arith.addf %add3A_33, %add3A_37 : vector<1000x128xf32>
    %swap3A = arith.constant 0 : index
    %swap3A_39 = arith.constant 0 : index
    %swap3A_40 = vector.load %arg10[%swap3A, %swap3A_39] : memref<1000x128xf32, #tpu.memory_space<vmem>>, vector<1000x128xf32>
    tpu.vector_store %arg10[%swap3A, %swap3A_39], %add3A_38 {strides = array<i32>} : memref<1000x128xf32, #tpu.memory_space<vmem>>, vector<1000x128xf32>,
    return
  }
  func.func @transform_0(%arg0: i32) -> (i32, i32, i32) {
    %c0_i32 = arith.constant 0 : i32
    %c0_i32_0 = arith.constant 0 : i32
    %c0_i32_1 = arith.constant 0 : i32
    return %c0_i32, %arg0, %c0_i32_0 : i32, i32, i32
  }
  func.func @transform_1(%arg0: i32) -> (i32, i32) {
    %c0_i32 = arith.constant 0 : i32
    %c0_i32_0 = arith.constant 0 : i32
    return %arg0, %c0_i32 : i32, i32
  }
  func.func @transform_2(%arg0: i32) -> (i32, i32) {
    %c0_i32 = arith.constant 0 : i32
    %c0_i32_0 = arith.constant 0 : i32
    %c0_i32_1 = arith.constant 0 : i32
    return %c0_i32, %c0_i32_0 : i32, i32
  }
  func.func @transform_3(%arg0: i32) -> (i32, i32) {
    %c0_i32 = arith.constant 0 : i32
    %c0_i32_0 = arith.constant 0 : i32
    return %arg0, %c0_i32 : i32, i32
  }
  func.func @transform_4(%arg0: i32) -> (i32, i32) {
    %c0_i32 = arith.constant 0 : i32
    %c0_i32_0 = arith.constant 0 : i32
    %c0_i32_1 = arith.constant 0 : i32
    return %c0_i32, %c0_i32_0 : i32, i32
  }
  func.func @transform_5(%arg0: i32) -> (i32, i32) {
    %c0_i32 = arith.constant 0 : i32
    %c0_i32_0 = arith.constant 0 : i32
    %c0_i32_1 = arith.constant 0 : i32
    return %c0_i32, %c0_i32_0 : i32, i32
  }
  func.func @transform_6(%arg0: i32) -> (i32, i32) {
    %c0_i32 = arith.constant 0 : i32
    %c0_i32_0 = arith.constant 0 : i32
    %c0_i32_1 = arith.constant 0 : i32
    return %c0_i32, %c0_i32_0 : i32, i32
  }
  func.func @transform_7(%arg0: i32) -> (i32, i32) {
    %c0_i32 = arith.constant 0 : i32
    %c0_i32_0 = arith.constant 0 : i32
    %c0_i32_1 = arith.constant 0 : i32
    return %c0_i32, %c0_i32_0 : i32, i32
  }
  func.func @transform_8(%arg0: i32) -> (i32, i32) {
    %c0_i32 = arith.constant 0 : i32
    %c0_i32_0 = arith.constant 0 : i32
    %c0_i32_1 = arith.constant 0 : i32
    return %c0_i32, %c0_i32_0 : i32, i32
  }
  func.func @transform_9(%arg0: i32) -> (i32, i32) {
    %c0_i32 = arith.constant 0 : i32
    %c0_i32_0 = arith.constant 0 : i32
    return %arg0, %c0_i32 : i32, i32
  }
}

</mosaic_0001>

<sc_bundles>
// kernel: kernel.6.cloned.1.call-start
scs
__scs_entry_jumppad:
0x0: {  	(pc) =	sbr.rel $0x88, $3  }
0x1: {  	(tag) =	ssettag $0x0;
	lr =	simm.s32 $0x1  }
0x2: {  	[smem:$0x3F96] =	sst lr;
	_ =	strace $0xD0000000  }
0x3: {  	_ = 	snop  }
0x4: {  	_ = 	snop  }
0x5: {  	_ = 	snop  }
0x6: {  	_ = 	snop  }
0x7: {  	_ = 	snop  }
__scs_overlays_trampoline_lowered:
0x8: {  	[smem:$0x3FA5] =	sst s0  }
0x9: {  	[smem:$0x3FA6] =	sst s1  }
0xa: {  	[smem:$0x3FA7] =	sst s2  }
0xb: {  	[smem:$0x3FA8] =	sst s3  }
0xc: {  	[smem:$0x3FA9] =	sst s4  }
0xd: {  	[smem:$0x3FAA] =	sst s5  }
0xe: {  	[smem:$0x3FAB] =	sst s6  }
0xf: {  	[smem:$0x3FAC] =	sst s7  }
0x10: {  	[smem:$0x3FAD] =	sst s8  }
0x11: {  	[smem:$0x3FAE] =	sst s9;
	s0 =	simm.s32 @!p0 $0x0  }
0x12: {  	s1 =	sld [smem:$0x3F94];
	s0 =	simm.s32 @p0 $0x1  }
0x13: {  	[smem:$0x3FAF] =	sst s0;
	s0 =	simm.s32 @!p1 $0x0  }
0x14: {  	s2 =	sld [smem:$0x3F93];
	s0 =	simm.s32 @p1 $0x1  }
0x15: {  	[smem:$0x3FB0] =	sst s0;
	s0 =	simm.s32 @!p2 $0x0  }
0x16: {  	s3 =	sld [smem:$0x3FDB];
	s0 =	simm.s32 @p2 $0x1  }
0x17: {  	s4 =	simm.s32 $0x1BF5;
	[smem:$0x3FB2] =	sst s0  }
0x18: {  	s0 =	sld [smem:$0x3F95];
	_ =	swait.ge [sflag:s4], $0x0  }
0x19: {  	s7 =	sld [smem:$0x3F96]  }
0x1a: {  	s8 =	sadd.s32 $0xFFFFE003, lr  }
0x1b: {  	s9 =	sadd.s32 $0xFFFFFEF7, lr;
	s5 =	simm.s32 $0xFFFFFFFF;
	p2 =	slt.u32 s8, $0xFFFFF086  }
0x1c: {  	p1 =	slt.u32 s9, $0xF7A;
	s5 =	simm.s32 @!p2 $0x0  }
0x1d: {  	s5 =	simm.s32 @p1 $0x1;
	p0 =	seq.s32 s7, s2  }
0x1e: {  	s7 =	smul.u32 @!p0 $0xF7A, s2;
	p2 =	seq.s32 @!p0 s5, $0x0  }
0x1f: {  	s9 =	smul.u32 $0xF7A, s1;
	s8 =	simm.s32 @!p0 $0x1BF5;
	p2 =	por !p2, p0  }
0x20: {  	[sflag:s8] =	ssyncset.s32 @!p0 $0xFFFFF086;
	s6 =	sadd.s32 @!p0 s3, s7;
	s7 =	simm.s32 @!p0 $0x108  }
0x21: {  	s3 =	sadd.s32 s3, s9;
	s6 =	sadd.s32 @!p0 $0x88, s6;
	s7 =	simm.s32 @p2 $0x1082  }
0x22: {  	[simem:s7], [sflag:s8] =	dma.local @!p0 [hbm:s6], $0xF7A  }
0x23: {  	s9 =	sor.u32 $0xD0000000, s2;
	s6 =	simm.s32 $0x108;
	_ =	swait.ge @!p0 [sflag:s8], $0x0  }
0x24: {  	s3 =	sadd.s32 $0x88, s3;
	s6 =	simm.s32 @!p1 $0x1082;
	[sflag:s4] =	ssyncset.s32 $0xFFFFF086  }
0x25: {  	[simem:s6], [sflag:s4] =	dma.local [hbm:s3], $0xF7A  }
0x26: {  	[smem:$0x3F96] =	sst s1;
	(tag) =	ssettag s2;
	_ =	strace s9  }
0x27: {  	s1 =	sld [smem:$0x3FA6]  }
0x28: {  	s2 =	sld [smem:$0x3FA7]  }
0x29: {  	s4 =	sld [smem:$0x3FA9]  }
0x2a: {  	p0 =	seq.s32 s5, $0x0;
	s5 =	sld [smem:$0x3FAA]  }
0x2b: {  	s6 =	sld [smem:$0x3FAB]  }
0x2c: {  	s7 =	sld [smem:$0x3FAC]  }
0x2d: {  	s3 =	simm.s32 $0x108;
	s8 =	sld [smem:$0x3FAD]  }
0x2e: {  	s3 =	simm.s32 @!p0 $0x1082;
	s9 =	sld [smem:$0x3FAE]  }
0x2f: {  	lr =	sadd.s32 s0, s3;
	s0 =	sld [smem:$0x3FA5]  }
0x30: {  	s3 =	sld [smem:$0x3FA8]  }
0x31: {  	[smem:$0x3FB1] =	sst s10  }
0x32: {  	s10 =	sld [smem:$0x3FAF];
	_ =	sdelay $0x3  }
0x33: {  	p0 =	seq.s32 s10, $0x1;
	s10 =	sld [smem:$0x3FB1];
	_ =	sdelay $0x3  }
0x34: {  	[smem:$0x3FB1] =	sst s10  }
0x35: {  	s10 =	sld [smem:$0x3FB0];
	_ =	sdelay $0x3  }
0x36: {  	p1 =	seq.s32 s10, $0x1;
	s10 =	sld [smem:$0x3FB1];
	_ =	sdelay $0x3  }
0x37: {  	[smem:$0x3FB1] =	sst s10  }
0x38: {  	s10 =	sld [smem:$0x3FB2]  }
0x39: {  	_ = 	snop;
	(pc) =	sbr.ind lr, $3  }
0x3a: {  	_ = 	snop  }
0x3b: {  	_ = 	snop  }
0x3c: {  	p2 =	seq.s32 s10, $0x1;
	s10 =	sld [smem:$0x3FB1]  }
0x3d: {  	_ =	shalt  }
0x3e: {  	_ =	shalt  }
0x3f: {  	_ =	shalt  }
0x40: {  	_ =	shalt  }
0x41: {  	_ =	shalt  }
0x42: {  	_ =	shalt  }
0x43: {  	_ =	shalt  }
0x44: {  	_ =	shalt  }
0x45: {  	_ =	shalt  }
0x46: {  	_ =	shalt  }
0x47: {  	_ =	shalt  }
0x48: {  	_ =	shalt  }
0x49: {  	_ =	shalt  }
0x4a: {  	_ =	shalt  }
0x4b: {  	_ =	shalt  }
0x4c: {  	_ =	shalt  }
0x4d: {  	_ =	shalt  }
0x4e: {  	_ =	shalt  }
0x4f: {  	_ =	shalt  }
0x50: {  	_ =	shalt  }
0x51: {  	_ =	shalt  }
0x52: {  	_ =	shalt  }
0x53: {  	_ =	shalt  }
0x54: {  	_ =	shalt  }
0x55: {  	_ =	shalt  }
0x56: {  	_ =	shalt  }
0x57: {  	_ =	shalt  }
0x58: {  	_ =	shalt  }
0x59: {  	_ =	shalt  }
0x5a: {  	_ =	shalt  }
0x5b: {  	_ =	shalt  }
0x5c: {  	_ =	shalt  }
0x5d: {  	_ =	shalt  }
0x5e: {  	_ =	shalt  }
0x5f: {  	_ =	shalt  }
0x60: {  	_ =	shalt  }
0x61: {  	_ =	shalt  }
0x62: {  	_ =	shalt  }
0x63: {  	_ =	shalt  }
0x64: {  	_ =	shalt  }
0x65: {  	_ =	shalt  }
0x66: {  	_ =	shalt  }
0x67: {  	_ =	shalt  }
0x68: {  	_ =	shalt  }
0x69: {  	_ =	shalt  }
0x6a: {  	_ =	shalt  }
0x6b: {  	_ =	shalt  }
0x6c: {  	_ =	shalt  }
0x6d: {  	_ =	shalt  }
0x6e: {  	_ =	shalt  }
0x6f: {  	_ =	shalt  }
0x70: {  	_ =	shalt  }
0x71: {  	_ =	shalt  }
0x72: {  	_ =	shalt  }
0x73: {  	_ =	shalt  }
0x74: {  	_ =	shalt  }
0x75: {  	_ =	shalt  }
0x76: {  	_ =	shalt  }
0x77: {  	_ =	shalt  }
0x78: {  	_ =	shalt  }
0x79: {  	_ =	shalt  }
0x7a: {  	_ =	shalt  }
0x7b: {  	_ =	shalt  }
0x7c: {  	_ =	shalt  }
0x7d: {  	_ =	shalt  }
0x7e: {  	_ =	shalt  }
0x7f: {  	_ =	shalt  }
0x80: {  	_ =	shalt  }
0x81: {  	_ =	shalt  }
0x82: {  	_ =	shalt  }
0x83: {  	_ =	shalt  }
0x84: {  	_ =	shalt  }
0x85: {  	_ =	shalt  }
0x86: {  	_ =	shalt  }
0x87: {  	_ =	shalt  }
.Lfunc_end0:
.L_simem_size_0:
called_computation_lowered:
.L_overlay_start_0:
0x88: {  	s2 =	sld [smem:$0x3FD9]  }
0x89: {  	s3 =	sld [smem:$0x3FFE];
	_ =	sdelay $0x1  }
0x8a: {  	s1 =	srdreg.scid  }
0x8b: {  	s0 =	sand.u32 $0x1, s1  }
0x8c: {  	s17 =	sshll.u32 s0, $0xA;
	s2 =	sadd.s32 s3, s2  }
0x8d: {  	s2 =	sadd.s32 s2, s17  }
0x8e: {  	[smem:$0x3FBD] =	sst s2  }
0x8f: {  	_ = 	snop  }
0x90: {  	s2 =	sld [smem:$0x3FD0];
	(tm) =	ssettm $0x1  }
0x91: {  	s18 =	sld [smem:$0x3FFB];
	_ =	sdelay $0x3  }
0x92: {  	_ =	strace s18  }
0x93: {  	s3 =	sld [smem:$0x3FFC];
	_ =	sdelay $0x3  }
0x94: {  	_ =	strace s3  }
0x95: {  	s3 =	sld [smem:$0x3FFD];
	_ =	sdelay $0x3  }
0x96: {  	_ =	strace s3  }
0x97: {  	_ =	strace $0x8FFFFFFF  }
0x98: {  	s19 =	sld [smem:$0x3FDB];
	_ =	sdelay $0x1  }
0x99: {  	s4 =	simm.s32 $_scs_section_size  }
0x9a: {  	s5 =	simm.s32 $_size__tile_overlayer_lowered;
	s6 =	simm.s32 $_tile_overlayer_lowered  }
0x9b: {  	s22 =	simm.s32 $0x1BFF;
	s21 =	sshll.u32 s6, $0x1;
	s3 =	sadd.s32 s4, s19  }
0x9c: {  	s7 =	simm.s32 $0x0;
	s20 =	sshll.u32 s5, $0x1;
	s5 =	sadd.s32 s21, s3  }
0x9d: {  	[timem:s7], [sflag:s22] =	dma.local [hbm:s5], s20  }
0x9e: {  	_ =	swait.ge [sflag:s22], s20  }
0x9f: {  	s4 =	ssub.s32 $0x0, s20;
	[sflag:s22] =	ssyncset.done $0x0  }
0xa0: {  	[sflag:s22] =	ssyncadd.s32 s4;
	_ =	sdelay $0x1  }
0xa1: {  	s23 =	simm.s32 $0x1B8B  }
0xa2: {  	_ =	swait.ge [sflag:s23], $0x1  }
0xa3: {  	[sflag:s23] =	ssyncset.done $0x0  }
0xa4: {  	s25 =	simm.s32 $0x1B8E;
	s24 =	sld [smem:$0x3FFE];
	[sflag:s23] =	ssyncadd.s32 $0xFFFFFFFF  }
0xa5: {  	s26 =	simm.s32 $execute0_lowered;
	[smem:$0x3FD2] =	sst s25  }
0xa6: {  	s5 =	sshll.u32 s26, $0x1;
	_ =	strace $0x80000046;
	[dreg:$0x1] =	wrdreg $0xFFFFFFFF  }
0xa7: {  	s28 =	simm.s32 $_size_execute0_lowered;
	s3 =	sadd.s32 s3, s5;
	[dreg:$0x0] =	wrdreg $0x0  }
0xa8: {  	s5 =	sshll.u32 s28, $0x1;
	[dreg:$0x2] =	wrdreg s3  }
0xa9: {  	[dreg:$0x3] =	wrdreg s5  }
0xaa: {  	[dreg:$0x4] =	wrdreg $0xC0  }
0xab: {  	_ =	task [dreg:s7], $0x5FFFF  }
0xac: {  	[dreg:$0x1] =	wrdreg $0xFFFFFFFF  }
0xad: {  	[dreg:$0x0] =	wrdreg $0x60  }
0xae: {  	[dreg:$0x2] =	wrdreg s2  }
0xaf: {  	[dreg:$0x3] =	wrdreg s24  }
0xb0: {  	[dreg:$0x4] =	wrdreg $0x50800  }
0xb1: {  	[dreg:$0x5] =	wrdreg $0x9  }
0xb2: {  	_ =	task.clear_ibuf [dreg:s7], $0x6FFFF;
	_ =	strace $0x90000046  }
0xb3: {  	s29 =	simm.s32 $0x9;
	_ =	strace $0x80000048  }
0xb4: {  	_ =	swait.ge [sflag:s29], $0x1  }
0xb5: {  	[sflag:s29] =	ssyncadd.s32 $0xFFFFFFFF  }
0xb6: {  	_ =	strace $0x90000048  }
0xb7: {  	_ =	sfence  }
0xb8: {  	s30 =	sld [smem:$0x0];
	_ =	sdelay $0x2  }
0xb9: {  	s31 =	sshll.u32 s1, $0xD;
	s1 =	sshrl.u32 s1, $0x2  }
0xba: {  	s3 =	sand.u32 $0x4000, s31;
	s1 =	sadd.s32 s1, s30  }
0xbb: {  	s0 =	sor.u32 s3, s0;
	s1 =	sshll.u32 s1, $0x11  }
0xbc: {  	s0 =	sor.u32 s1, s0  }
0xbd: {  	s0 =	sadd.s32 $0x8F2B, s0  }
0xbe: {  	[sflag:s0] =	ssyncadd.remote.s32 $0x1  }
0xbf: {  	_ =	sfence.sel $0xFFFF  }
0xc0: {  	[dreg:$0x0] =	wrdreg $0xFFFFFFFF;
	(pc) =	sbr.abs _section_cstart, $3  }
0xc1: {  	[dreg:$0x1] =	wrdreg $0xFFFFFFFF  }
0xc2: {  	_ =	task.clear_ibuf [dreg:s7], $0x2FFFF;
	_ =	strace $0x9FFFFFFF  }
0xc3: {  	(tm) =	ssettm $0x7FFFFFFF  }
tec
execute0_lowered:
.L_overlay_start_1:
0x0: {  	(tag) =	ssettag $0x1  }
0x1: {  	s6 =	rddreg [dreg:$0x0]  }
0x2: {  	s7 =	rddreg [dreg:$0x1]  }
0x3: {  	s2 =	rddreg [dreg:$0x2]  }
0x4: {  	s0 =	rddreg [dreg:$0x3]  }
0x5: {  	s4 =	srdreg.scid;
	s1 =	stileid.u32  }
0x6: {  	s3 =	simm.s32 $0x0;
	s13 =	simm.s32 $0x80;
	s14 =	simm.s32 $0x20  }
0x7: {  	s15 =	simm.s32 $0x10;
	s16 =	simm.s32 $0x0;
	s26 =	smul.u32 $0x500, s1  }
0x8: {  	s8 =	sand.u32 $0x1, s4;
	[smem:$0x7FF] =	sst s3;
	s9 =	smul.u32 $0xA00, s1  }
0x9: {  	s4 =	sadd.s32 $0x3000, s7;
	s12 =	smul.u32 $0x5000, s1;
	s31 =	sshll.u32 s1, $0x6  }
0xa: {  	s5 =	sshll.u32 s8, $0x7;
	s10 =	smul.u32 $0x50000, s8;
	s8 =	ssub.s32 $0x2, s8  }
0xb: {  	_ =	strace $0x80000047;
	s5 =	sor.u32 s5, s26;
	s28 =	sshrl.u32 s8, $0x1  }
0xc: {  	s9 =	sshrl.u32 s9, $0x2;
	s11 =	sshrl.u32 s5, $0x3;
	s5 =	sadd.s32 $0x2E00, s7  }
0xd: {  	s10 =	sadd.s32 s12, s10;
	s8 =	ssub.s32 s8, s28;
	s29 =	sadd.s32 s9, s2  }
0xe: {  	s9 =	simm.s32 $0x5000;
	s7 =	sadd.s32 s11, s7;
	s30 =	sshrl.u32 s10, $0x3  }
0xf: {  	s8 =	smax.u32 s8, $0x1;
	s10 =	simm.s32 $0x1;
	s11 =	sor.u32 $0x1C01, s31  }
0x10: {  	s12 =	sshrl.u32 s29, $0x3;
	s6 =	sadd.s32 s6, s30;
	s7 =	sadd.s32 $0x3200, s7  }
.LBB2_1:
0x11: {  	[tilespmem:s9], [sflag:$0x1] =	stream.linear.gather [hbm4b:s4+s3], $0x80, $0x38;
	[tilespmem:$0x5300] =	vst v63  }
0x12: {  	_ =	swait.ge [sflag:s10], $0x80  }
0x13: {  	[sflag:s10] =	ssyncset.done $0x0  }
0x14: {  	[sflag:s10] =	ssyncadd.s32 $0xFFFFFF80  }
0x15: {  	[spmem:s12], [sflag:s11] =	dma.local [hbm:s5], $0x50  }
0x16: {  	_ =	swait.ge [sflag:s10], $0x50  }
0x17: {  	[sflag:s10] =	ssyncset.done $0x0  }
0x18: {  	[sflag:s10] =	ssyncadd.s32 $0xFFFFFFB0  }
0x19: {  	[tilespmem:s3], [sflag:$0x1] =	stream.linear.gather [hbm4b:s6+s3], $0x5000, $0x38;
	[tilespmem:$0x5300] =	vst v63  }
0x1a: {  	_ =	swait.ge [sflag:s10], $0x5000  }
0x1b: {  	[sflag:s10] =	ssyncset.done $0x0  }
0x1c: {  	[sflag:s10] =	ssyncadd.s32 $0xFFFFB000  }
0x1d: {  	s17 =	simm.s32 $0x0;
	[bflag:$0x0] =	sbarrier.arrive $0xFFFF  }
0x1e: {  	[spmem:s2] =	stream.indirect.scatter.add.f32 [tilespmem:s9], [sflag:$0x1], $0x1, s17, s13, $0xb8;
	[tilespmem:$0x5300] =	vst v63  }
0x1f: {  	_ =	swait.ge [sflag:s10], $0x80  }
0x20: {  	s17 =	simm.s32 $0x200;
	[sflag:s10] =	ssyncset.done $0x0  }
.LBB2_2:
0x21: {  	s18 =	sshra.s32 s17, $0x2;
	[sflag:s10] =	ssyncadd.s32 $0xFFFFFF80;
	p0 =	sne.s32 s17, $0x13E00  }
0x22: {  	[spmem:s2] =	stream.indirect.scatter.add.f32 [tilespmem:s9], [sflag:$0x1], $0x1, s18, s13, $0xb8;
	[tilespmem:$0x5300] =	vst v63  }
.Ltmp0:
0x23: {  	_ = 	snop;
	(pc) =	sbr.rel @p0 .LBB2_2-.Ltmp0, $4  }
0x24: {  	_ = 	snop  }
0x25: {  	s17 =	sadd.s32 $0x200, s17  }
0x26: {  	_ =	swait.ge [sflag:s10], $0x80  }
0x27: {  	[sflag:s10] =	ssyncset.done $0x0  }
0x28: {  	s16 =	sadd.s32 $0x1, s16  }
0x29: {  	[sflag:s10] =	ssyncadd.s32 $0xFFFFFF80;
	p0 =	sne.s32 s16, s8  }
.Ltmp1:
0x2a: {  	[bflag:$0x0] =	sbarrier.arrive $0xFFFF;
	(pc) =	sbr.rel @p0 .LBB2_1-.Ltmp1, $4  }
0x2b: {  	[hbm:s7@s14], [sflag:s11] =	dma.strided [spmem:s12@s15], $0x50, s10, $0x10   }
0x2c: {  	_ =	swait.ge [sflag:s10], $0x50  }
0x2d: {  	[sflag:s10] =	ssyncset.done $0x0  }
0x2e: {  	[sflag:s10] =	ssyncadd.s32 $0xFFFFFFB0  }
0x2f: {  	_ =	sfence.sel $0x180000  }
0x30: {  	[bflag:$0x0] =	sbarrier.arrive $0xFFFF  }
0x31: {  	p0 =	sne.s32 s1, $0x0;
	_ =	strace $0x90000047  }
0x32: {  	s0 =	sadd.s32 @!p0 $0x100000, s0;
	[bflag:$0x2] =	sbarrier.arrive $0xFFFF  }
0x33: {  	[sflag:s0] =	ssyncadd.tile.s32 @!p0 $0x1;
	_ =	shalt  }
.Lfunc_end2:
_tile_overlayer_lowered:
.L_overlay_start_2:
0x34: {  	(tag) =	ssettag $0x2  }
0x35: {  	s0 =	rddreg [dreg:$0x0];
	s2 =	stileid.u32  }
0x36: {  	s1 =	rddreg [dreg:$0x1];
	p0 =	sne.s32 s2, $0x0  }
0x37: {  	s3 =	rddreg [dreg:$0x2];
	[bflag:$0x3] =	sbarrier.arrive $0xFFFF;
	s2 =	simm.s32 @!p0 $0x1C01  }
0x38: {  	[timem:s3], [sflag:s2] =	dma.local @!p0 [hbm:s0], s1  }
0x39: {  	s0 =	simm.s32 @!p0 $0x1  }
0x3a: {  	_ =	swait.ge @!p0 [sflag:s0], s1  }
0x3b: {  	s1 =	ssub.s32 @!p0 $0x0, s1;
	[sflag:s0] =	ssyncset.done @!p0 $0x0  }
0x3c: {  	[sflag:s0] =	ssyncadd.s32 @!p0 s1  }
0x3d: {  	[bflag:$0x3] =	sbarrier.arrive $0xFFFF  }
0x3e: {  	_ =	shalt  }

// kernel: kernel.9.cloned.1.call-start
scs
__scs_entry_jumppad:
0x0: {  	(pc) =	sbr.rel $0x88, $3  }
0x1: {  	(tag) =	ssettag $0x0;
	lr =	simm.s32 $0x1  }
0x2: {  	[smem:$0x3F96] =	sst lr;
	_ =	strace $0xD0000000  }
0x3: {  	_ = 	snop  }
0x4: {  	_ = 	snop  }
0x5: {  	_ = 	snop  }
0x6: {  	_ = 	snop  }
0x7: {  	_ = 	snop  }
__scs_overlays_trampoline_lowered:
0x8: {  	[smem:$0x3FA5] =	sst s0  }
0x9: {  	[smem:$0x3FA6] =	sst s1  }
0xa: {  	[smem:$0x3FA7] =	sst s2  }
0xb: {  	[smem:$0x3FA8] =	sst s3  }
0xc: {  	[smem:$0x3FA9] =	sst s4  }
0xd: {  	[smem:$0x3FAA] =	sst s5  }
0xe: {  	[smem:$0x3FAB] =	sst s6  }
0xf: {  	[smem:$0x3FAC] =	sst s7  }
0x10: {  	[smem:$0x3FAD] =	sst s8  }
0x11: {  	[smem:$0x3FAE] =	sst s9;
	s0 =	simm.s32 @!p0 $0x0  }
0x12: {  	s1 =	sld [smem:$0x3F94];
	s0 =	simm.s32 @p0 $0x1  }
0x13: {  	[smem:$0x3FAF] =	sst s0;
	s0 =	simm.s32 @!p1 $0x0  }
0x14: {  	s2 =	sld [smem:$0x3F93];
	s0 =	simm.s32 @p1 $0x1  }
0x15: {  	[smem:$0x3FB0] =	sst s0;
	s0 =	simm.s32 @!p2 $0x0  }
0x16: {  	s3 =	sld [smem:$0x3FDB];
	s0 =	simm.s32 @p2 $0x1  }
0x17: {  	s4 =	simm.s32 $0x1BF5;
	[smem:$0x3FB2] =	sst s0  }
0x18: {  	s0 =	sld [smem:$0x3F95];
	_ =	swait.ge [sflag:s4], $0x0  }
0x19: {  	s7 =	sld [smem:$0x3F96]  }
0x1a: {  	s8 =	sadd.s32 $0xFFFFE003, lr  }
0x1b: {  	s9 =	sadd.s32 $0xFFFFFEF7, lr;
	s5 =	simm.s32 $0xFFFFFFFF;
	p2 =	slt.u32 s8, $0xFFFFF086  }
0x1c: {  	p1 =	slt.u32 s9, $0xF7A;
	s5 =	simm.s32 @!p2 $0x0  }
0x1d: {  	s5 =	simm.s32 @p1 $0x1;
	p0 =	seq.s32 s7, s2  }
0x1e: {  	s7 =	smul.u32 @!p0 $0xF7A, s2;
	p2 =	seq.s32 @!p0 s5, $0x0  }
0x1f: {  	s9 =	smul.u32 $0xF7A, s1;
	s8 =	simm.s32 @!p0 $0x1BF5;
	p2 =	por !p2, p0  }
0x20: {  	[sflag:s8] =	ssyncset.s32 @!p0 $0xFFFFF086;
	s6 =	sadd.s32 @!p0 s3, s7;
	s7 =	simm.s32 @!p0 $0x108  }
0x21: {  	s3 =	sadd.s32 s3, s9;
	s6 =	sadd.s32 @!p0 $0x88, s6;
	s7 =	simm.s32 @p2 $0x1082  }
0x22: {  	[simem:s7], [sflag:s8] =	dma.local @!p0 [hbm:s6], $0xF7A  }
0x23: {  	s9 =	sor.u32 $0xD0000000, s2;
	s6 =	simm.s32 $0x108;
	_ =	swait.ge @!p0 [sflag:s8], $0x0  }
0x24: {  	s3 =	sadd.s32 $0x88, s3;
	s6 =	simm.s32 @!p1 $0x1082;
	[sflag:s4] =	ssyncset.s32 $0xFFFFF086  }
0x25: {  	[simem:s6], [sflag:s4] =	dma.local [hbm:s3], $0xF7A  }
0x26: {  	[smem:$0x3F96] =	sst s1;
	(tag) =	ssettag s2;
	_ =	strace s9  }
0x27: {  	s1 =	sld [smem:$0x3FA6]  }
0x28: {  	s2 =	sld [smem:$0x3FA7]  }
0x29: {  	s4 =	sld [smem:$0x3FA9]  }
0x2a: {  	p0 =	seq.s32 s5, $0x0;
	s5 =	sld [smem:$0x3FAA]  }
0x2b: {  	s6 =	sld [smem:$0x3FAB]  }
0x2c: {  	s7 =	sld [smem:$0x3FAC]  }
0x2d: {  	s3 =	simm.s32 $0x108;
	s8 =	sld [smem:$0x3FAD]  }
0x2e: {  	s3 =	simm.s32 @!p0 $0x1082;
	s9 =	sld [smem:$0x3FAE]  }
0x2f: {  	lr =	sadd.s32 s0, s3;
	s0 =	sld [smem:$0x3FA5]  }
0x30: {  	s3 =	sld [smem:$0x3FA8]  }
0x31: {  	[smem:$0x3FB1] =	sst s10  }
0x32: {  	s10 =	sld [smem:$0x3FAF];
	_ =	sdelay $0x3  }
0x33: {  	p0 =	seq.s32 s10, $0x1;
	s10 =	sld [smem:$0x3FB1];
	_ =	sdelay $0x3  }
0x34: {  	[smem:$0x3FB1] =	sst s10  }
0x35: {  	s10 =	sld [smem:$0x3FB0];
	_ =	sdelay $0x3  }
0x36: {  	p1 =	seq.s32 s10, $0x1;
	s10 =	sld [smem:$0x3FB1];
	_ =	sdelay $0x3  }
0x37: {  	[smem:$0x3FB1] =	sst s10  }
0x38: {  	s10 =	sld [smem:$0x3FB2]  }
0x39: {  	_ = 	snop;
	(pc) =	sbr.ind lr, $3  }
0x3a: {  	_ = 	snop  }
0x3b: {  	_ = 	snop  }
0x3c: {  	p2 =	seq.s32 s10, $0x1;
	s10 =	sld [smem:$0x3FB1]  }
0x3d: {  	_ =	shalt  }
0x3e: {  	_ =	shalt  }
0x3f: {  	_ =	shalt  }
0x40: {  	_ =	shalt  }
0x41: {  	_ =	shalt  }
0x42: {  	_ =	shalt  }
0x43: {  	_ =	shalt  }
0x44: {  	_ =	shalt  }
0x45: {  	_ =	shalt  }
0x46: {  	_ =	shalt  }
0x47: {  	_ =	shalt  }
0x48: {  	_ =	shalt  }
0x49: {  	_ =	shalt  }
0x4a: {  	_ =	shalt  }
0x4b: {  	_ =	shalt  }
0x4c: {  	_ =	shalt  }
0x4d: {  	_ =	shalt  }
0x4e: {  	_ =	shalt  }
0x4f: {  	_ =	shalt  }
0x50: {  	_ =	shalt  }
0x51: {  	_ =	shalt  }
0x52: {  	_ =	shalt  }
0x53: {  	_ =	shalt  }
0x54: {  	_ =	shalt  }
0x55: {  	_ =	shalt  }
0x56: {  	_ =	shalt  }
0x57: {  	_ =	shalt  }
0x58: {  	_ =	shalt  }
0x59: {  	_ =	shalt  }
0x5a: {  	_ =	shalt  }
0x5b: {  	_ =	shalt  }
0x5c: {  	_ =	shalt  }
0x5d: {  	_ =	shalt  }
0x5e: {  	_ =	shalt  }
0x5f: {  	_ =	shalt  }
0x60: {  	_ =	shalt  }
0x61: {  	_ =	shalt  }
0x62: {  	_ =	shalt  }
0x63: {  	_ =	shalt  }
0x64: {  	_ =	shalt  }
0x65: {  	_ =	shalt  }
0x66: {  	_ =	shalt  }
0x67: {  	_ =	shalt  }
0x68: {  	_ =	shalt  }
0x69: {  	_ =	shalt  }
0x6a: {  	_ =	shalt  }
0x6b: {  	_ =	shalt  }
0x6c: {  	_ =	shalt  }
0x6d: {  	_ =	shalt  }
0x6e: {  	_ =	shalt  }
0x6f: {  	_ =	shalt  }
0x70: {  	_ =	shalt  }
0x71: {  	_ =	shalt  }
0x72: {  	_ =	shalt  }
0x73: {  	_ =	shalt  }
0x74: {  	_ =	shalt  }
0x75: {  	_ =	shalt  }
0x76: {  	_ =	shalt  }
0x77: {  	_ =	shalt  }
0x78: {  	_ =	shalt  }
0x79: {  	_ =	shalt  }
0x7a: {  	_ =	shalt  }
0x7b: {  	_ =	shalt  }
0x7c: {  	_ =	shalt  }
0x7d: {  	_ =	shalt  }
0x7e: {  	_ =	shalt  }
0x7f: {  	_ =	shalt  }
0x80: {  	_ =	shalt  }
0x81: {  	_ =	shalt  }
0x82: {  	_ =	shalt  }
0x83: {  	_ =	shalt  }
0x84: {  	_ =	shalt  }
0x85: {  	_ =	shalt  }
0x86: {  	_ =	shalt  }
0x87: {  	_ =	shalt  }
.Lfunc_end0:
.L_simem_size_0:
called_computation.1_lowered:
.L_overlay_start_0:
0x88: {  	s2 =	sld [smem:$0x3FD9]  }
0x89: {  	s3 =	sld [smem:$0x3FFE];
	_ =	sdelay $0x1  }
0x8a: {  	s1 =	srdreg.scid  }
0x8b: {  	s0 =	sand.u32 $0x1, s1  }
0x8c: {  	s17 =	sshll.u32 s0, $0xA;
	s2 =	sadd.s32 s3, s2  }
0x8d: {  	s2 =	sadd.s32 s2, s17  }
0x8e: {  	[smem:$0x3FBD] =	sst s2  }
0x8f: {  	_ = 	snop  }
0x90: {  	s2 =	sld [smem:$0x3FD0];
	(tm) =	ssettm $0x1  }
0x91: {  	s18 =	sld [smem:$0x3FFB];
	_ =	sdelay $0x3  }
0x92: {  	_ =	strace s18  }
0x93: {  	s3 =	sld [smem:$0x3FFC];
	_ =	sdelay $0x3  }
0x94: {  	_ =	strace s3  }
0x95: {  	s3 =	sld [smem:$0x3FFD];
	_ =	sdelay $0x3  }
0x96: {  	_ =	strace s3  }
0x97: {  	_ =	strace $0x8FFFFFFF  }
0x98: {  	s19 =	sld [smem:$0x3FDB];
	_ =	sdelay $0x1  }
0x99: {  	s4 =	simm.s32 $_scs_section_size  }
0x9a: {  	s5 =	simm.s32 $_size__tile_overlayer_lowered;
	s6 =	simm.s32 $_tile_overlayer_lowered  }
0x9b: {  	s22 =	simm.s32 $0x1BFF;
	s21 =	sshll.u32 s6, $0x1;
	s3 =	sadd.s32 s4, s19  }
0x9c: {  	s7 =	simm.s32 $0x0;
	s20 =	sshll.u32 s5, $0x1;
	s5 =	sadd.s32 s21, s3  }
0x9d: {  	[timem:s7], [sflag:s22] =	dma.local [hbm:s5], s20  }
0x9e: {  	_ =	swait.ge [sflag:s22], s20  }
0x9f: {  	s4 =	ssub.s32 $0x0, s20;
	[sflag:s22] =	ssyncset.done $0x0  }
0xa0: {  	[sflag:s22] =	ssyncadd.s32 s4;
	_ =	sdelay $0x1  }
0xa1: {  	s23 =	simm.s32 $0x1B8B  }
0xa2: {  	_ =	swait.ge [sflag:s23], $0x1  }
0xa3: {  	[sflag:s23] =	ssyncset.done $0x0  }
0xa4: {  	s25 =	simm.s32 $0x1B8E;
	s24 =	sld [smem:$0x3FFE];
	[sflag:s23] =	ssyncadd.s32 $0xFFFFFFFF  }
0xa5: {  	s26 =	simm.s32 $execute0_lowered;
	[smem:$0x3FD2] =	sst s25  }
0xa6: {  	s5 =	sshll.u32 s26, $0x1;
	_ =	strace $0x80000049;
	[dreg:$0x1] =	wrdreg $0xFFFFFFFF  }
0xa7: {  	s28 =	simm.s32 $_size_execute0_lowered;
	s3 =	sadd.s32 s3, s5;
	[dreg:$0x0] =	wrdreg $0x0  }
0xa8: {  	s5 =	sshll.u32 s28, $0x1;
	[dreg:$0x2] =	wrdreg s3  }
0xa9: {  	[dreg:$0x3] =	wrdreg s5  }
0xaa: {  	[dreg:$0x4] =	wrdreg $0xC0  }
0xab: {  	_ =	task [dreg:s7], $0x5FFFF  }
0xac: {  	[dreg:$0x1] =	wrdreg $0xFFFFFFFF  }
0xad: {  	[dreg:$0x0] =	wrdreg $0x60  }
0xae: {  	[dreg:$0x2] =	wrdreg s24  }
0xaf: {  	[dreg:$0x3] =	wrdreg s2  }
0xb0: {  	[dreg:$0x4] =	wrdreg $0xA8000  }
0xb1: {  	[dreg:$0x5] =	wrdreg $0x9  }
0xb2: {  	_ =	task.clear_ibuf [dreg:s7], $0x6FFFF;
	_ =	strace $0x90000049  }
0xb3: {  	s29 =	simm.s32 $0x9;
	_ =	strace $0x8000004B  }
0xb4: {  	_ =	swait.ge [sflag:s29], $0x1  }
0xb5: {  	[sflag:s29] =	ssyncadd.s32 $0xFFFFFFFF  }
0xb6: {  	_ =	strace $0x9000004B  }
0xb7: {  	_ =	sfence  }
0xb8: {  	s30 =	sld [smem:$0x0];
	_ =	sdelay $0x2  }
0xb9: {  	s31 =	sshll.u32 s1, $0xD;
	s1 =	sshrl.u32 s1, $0x2  }
0xba: {  	s3 =	sand.u32 $0x4000, s31;
	s1 =	sadd.s32 s1, s30  }
0xbb: {  	s0 =	sor.u32 s3, s0;
	s1 =	sshll.u32 s1, $0x11  }
0xbc: {  	s0 =	sor.u32 s1, s0  }
0xbd: {  	s0 =	sadd.s32 $0x8F2B, s0  }
0xbe: {  	[sflag:s0] =	ssyncadd.remote.s32 $0x1  }
0xbf: {  	_ =	sfence.sel $0xFFFF  }
0xc0: {  	[dreg:$0x0] =	wrdreg $0xFFFFFFFF;
	(pc) =	sbr.abs _section_cstart, $3  }
0xc1: {  	[dreg:$0x1] =	wrdreg $0xFFFFFFFF  }
0xc2: {  	_ =	task.clear_ibuf [dreg:s7], $0x2FFFF;
	_ =	strace $0x9FFFFFFF  }
0xc3: {  	(tm) =	ssettm $0x7FFFFFFF  }
tec
execute0_lowered:
.L_overlay_start_1:
0x0: {  	(tag) =	ssettag $0x1  }
0x1: {  	s6 =	rddreg [dreg:$0x0]  }
0x2: {  	s7 =	rddreg [dreg:$0x1]  }
0x3: {  	s1 =	rddreg [dreg:$0x2]  }
0x4: {  	s0 =	rddreg [dreg:$0x3]  }
0x5: {  	s3 =	simm.s32 $0x0;
	s2 =	srdreg.scid;
	s16 =	simm.s32 $0x80  }
0x6: {  	s17 =	simm.s32 $0x2800;
	s18 =	simm.s32 $0x6800;
	s19 =	simm.s32 $0x1  }
0x7: {  	s20 =	simm.s32 $0x2;
	s21 =	simm.s32 $0x2700;
	s22 =	simm.s32 $0x2780  }
0x8: {  	s23 =	simm.s32 $0x0;
	[smem:$0x7FF] =	sst s3;
	s8 =	sand.u32 $0x1, s2  }
0x9: {  	s2 =	stileid.u32;
	s4 =	sadd.s32 $0x2E00, s6;
	s9 =	smul.u32 $0x140000, s8  }
0xa: {  	s5 =	sadd.s32 $0x2AE00, s6;
	_ =	strace $0x8000004A;
	s10 =	smul.u32 $0x14000, s2  }
0xb: {  	s11 =	sshll.u32 s8, $0x4;
	s8 =	ssub.s32 $0x2, s8;
	s12 =	smul.u32 $0x50000, s2  }
0xc: {  	s31 =	sshll.u32 s2, $0x6;
	s11 =	sor.u32 s2, s11;
	s28 =	sshrl.u32 s8, $0x1  }
0xd: {  	s9 =	sadd.s32 s10, s9;
	s26 =	smul.u32 $0x2800, s11;
	s30 =	sshrl.u32 s12, $0x2  }
0xe: {  	s14 =	ssub.s32 s8, s28;
	s9 =	sshrl.u32 s9, $0x3;
	s15 =	sadd.s32 s30, s1  }
0xf: {  	s12 =	smax.u32 s14, $0x1;
	s14 =	simm.s32 $0x3;
	s29 =	sshrl.u32 s26, $0x3  }
0x10: {  	s13 =	sadd.s32 s9, s6;
	s6 =	sadd.s32 s7, s29;
	s7 =	sor.u32 $0x1C03, s31  }
0x11: {  	s11 =	sadd.s32 $0x2D600, s13;
	s13 =	sshrl.u32 s15, $0x3;
	s15 =	simm.s32 $0x1400  }
0x12: {  	s8 =	sadd.s32 $0xA000, s6;
	s9 =	sadd.s32 $0x280, s6;
	s10 =	sadd.s32 $0xA280, s6  }
.LBB2_1:
0x13: {  	[spmem:s13], [sflag:s7] =	dma.local [hbm:s5], $0x2800  }
0x14: {  	_ =	swait.ge [sflag:s14], $0x2800  }
0x15: {  	[sflag:s14] =	ssyncset.done $0x0  }
0x16: {  	[sflag:s14] =	ssyncadd.s32 $0xFFFFD800  }
0x17: {  	[bflag:$0x0] =	sbarrier.arrive $0xFFFF  }
0x18: {  	[tilespmem:s3], [sflag:$0x3] =	stream.linear.gather [hbm4b:s6+s3], $0x1400, $0x38;
	[tilespmem:$0x1E800] =	vst v63  }
0x19: {  	_ =	swait.ge [sflag:s14], $0x1400  }
0x1a: {  	[sflag:s14] =	ssyncset.done $0x0  }
0x1b: {  	[sflag:s14] =	ssyncadd.s32 $0xFFFFEC00  }
0x1c: {  	[tilespmem:s15], [sflag:$0x3] =	stream.linear.gather [hbm4b:s8+s3], $0x1400, $0x38;
	[tilespmem:$0x1E800] =	vst v63  }
0x1d: {  	_ =	swait.ge [sflag:s14], $0x1400  }
0x1e: {  	[sflag:s14] =	ssyncset.done $0x0  }
0x1f: {  	[sflag:s14] =	ssyncadd.s32 $0xFFFFEC00  }
0x20: {  	[tilespmem:s17], [sflag:$0x1] =	stream.indirect.gather [hbm4b:s4+s16], $0x80, s3, s16, $0xb8;
	[tilespmem:$0x1E800] =	vst v63  }
0x21: {  	_ = 	snop  }
0x22: {  	[tilespmem:s18], [sflag:$0x2] =	stream.indirect.gather [hbm4b:s4+s16], $0x80, s16, s16, $0xb8;
	[tilespmem:$0x1E800] =	vst v63  }
0x23: {  	_ =	swait.ge [sflag:s19], $0x4000  }
0x24: {  	[sflag:s19] =	ssyncset.done $0x0  }
0x25: {  	s24 =	simm.s32 $0x1400;
	[sflag:s19] =	ssyncadd.s32 $0xFFFFC000  }
0x26: {  	[spmem:s1] =	stream.indirect.scatter.add.f32 [tilespmem:s17], [sflag:$0x3], $0x80, s24, s16, $0xb8;
	[tilespmem:$0x1E800] =	vst v63  }
0x27: {  	_ =	swait.ge [sflag:s14], $0x4000  }
0x28: {  	[sflag:s14] =	ssyncset.done $0x0  }
0x29: {  	s30 =	simm.s32 $0x100;
	[sflag:s14] =	ssyncadd.s32 $0xFFFFC000  }
0x2a: {  	[tilespmem:s17], [sflag:$0x1] =	stream.indirect.gather [hbm4b:s4+s16], $0x80, s30, s16, $0xb8;
	[tilespmem:$0x1E800] =	vst v63  }
0x2b: {  	_ =	swait.ge [sflag:s20], $0x4000  }
0x2c: {  	[sflag:s20] =	ssyncset.done $0x0  }
0x2d: {  	s31 =	simm.s32 $0x1480;
	[sflag:s20] =	ssyncadd.s32 $0xFFFFC000  }
0x2e: {  	[spmem:s1] =	stream.indirect.scatter.add.f32 [tilespmem:s18], [sflag:$0x3], $0x80, s31, s16, $0xb8;
	[tilespmem:$0x1E800] =	vst v63  }
0x2f: {  	_ =	swait.ge [sflag:s14], $0x4000  }
0x30: {  	[sflag:s14] =	ssyncset.done $0x0  }
0x31: {  	s25 =	simm.s32 $0x180;
	s24 =	simm.s32 $0x400;
	[sflag:s14] =	ssyncadd.s32 $0xFFFFC000  }
.LBB2_2:
0x32: {  	[tilespmem:s18], [sflag:$0x2] =	stream.indirect.gather [hbm4b:s4+s16], $0x80, s25, s16, $0xb8;
	[tilespmem:$0x1E800] =	vst v63  }
0x33: {  	s25 =	smov.u32 s24  }
0x34: {  	p0 =	sne.s32 s24, $0x4800;
	s24 =	sadd.s32 $0x400, s24;
	_ =	swait.ge [sflag:s19], $0x4000  }
0x35: {  	s25 =	sshra.s32 s25, $0x2;
	[sflag:s19] =	ssyncset.done $0x0  }
0x36: {  	s26 =	sadd.s32 $0x1400, s25;
	[sflag:s19] =	ssyncadd.s32 $0xFFFFC000  }
0x37: {  	[spmem:s1] =	stream.indirect.scatter.add.f32 [tilespmem:s17], [sflag:$0x3], $0x80, s26, s16, $0xb8;
	[tilespmem:$0x1E800] =	vst v63  }
0x38: {  	_ =	swait.ge [sflag:s14], $0x4000  }
0x39: {  	[sflag:s14] =	ssyncset.done $0x0  }
0x3a: {  	s26 =	sadd.s32 $0x100, s25;
	[sflag:s14] =	ssyncadd.s32 $0xFFFFC000  }
0x3b: {  	[tilespmem:s17], [sflag:$0x1] =	stream.indirect.gather [hbm4b:s4+s16], $0x80, s26, s16, $0xb8;
	[tilespmem:$0x1E800] =	vst v63  }
0x3c: {  	_ =	swait.ge [sflag:s20], $0x4000  }
0x3d: {  	[sflag:s20] =	ssyncset.done $0x0  }
.Ltmp0:
0x3e: {  	s26 =	sadd.s32 $0x1480, s25;
	[sflag:s20] =	ssyncadd.s32 $0xFFFFC000;
	(pc) =	sbr.rel @p0 .LBB2_2-.Ltmp0, $4  }
0x3f: {  	[spmem:s1] =	stream.indirect.scatter.add.f32 [tilespmem:s18], [sflag:$0x3], $0x80, s26, s16, $0xb8;
	[tilespmem:$0x1E800] =	vst v63  }
0x40: {  	_ =	swait.ge [sflag:s14], $0x4000  }
0x41: {  	[sflag:s14] =	ssyncset.done $0x0  }
0x42: {  	s25 =	sadd.s32 $0x180, s25;
	[sflag:s14] =	ssyncadd.s32 $0xFFFFC000  }
0x43: {  	[tilespmem:s18], [sflag:$0x2] =	stream.indirect.gather [hbm4b:s4+s16], $0x80, s25, s16, $0xb8;
	[tilespmem:$0x1E800] =	vst v63  }
0x44: {  	_ =	swait.ge [sflag:s19], $0x4000  }
0x45: {  	[sflag:s19] =	ssyncset.done $0x0  }
0x46: {  	[sflag:s19] =	ssyncadd.s32 $0xFFFFC000  }
0x47: {  	[spmem:s1] =	stream.indirect.scatter.add.f32 [tilespmem:s17], [sflag:$0x3], $0x80, s21, s16, $0xb8;
	[tilespmem:$0x1E800] =	vst v63  }
0x48: {  	_ =	swait.ge [sflag:s14], $0x4000  }
0x49: {  	[sflag:s14] =	ssyncset.done $0x0  }
0x4a: {  	[sflag:s14] =	ssyncadd.s32 $0xFFFFC000  }
0x4b: {  	_ =	swait.ge [sflag:s20], $0x4000  }
0x4c: {  	[sflag:s20] =	ssyncset.done $0x0  }
0x4d: {  	[sflag:s20] =	ssyncadd.s32 $0xFFFFC000  }
0x4e: {  	[spmem:s1] =	stream.indirect.scatter.add.f32 [tilespmem:s18], [sflag:$0x3], $0x80, s22, s16, $0xb8;
	[tilespmem:$0x1E800] =	vst v63  }
0x4f: {  	_ =	swait.ge [sflag:s14], $0x4000  }
0x50: {  	[sflag:s14] =	ssyncset.done $0x0  }
0x51: {  	s24 =	simm.s32 $0x0;
	[sflag:s14] =	ssyncadd.s32 $0xFFFFC000  }
0x52: {  	[tilespmem:s24], [sflag:$0x3] =	stream.linear.gather [hbm4b:s9+s24], $0x1400, $0x38;
	[tilespmem:$0x1E800] =	vst v63  }
0x53: {  	_ =	swait.ge [sflag:s14], $0x1400  }
0x54: {  	[sflag:s14] =	ssyncset.done $0x0  }
0x55: {  	[sflag:s14] =	ssyncadd.s32 $0xFFFFEC00  }
0x56: {  	[tilespmem:s15], [sflag:$0x3] =	stream.linear.gather [hbm4b:s10+s24], $0x1400, $0x38;
	[tilespmem:$0x1E800] =	vst v63  }
0x57: {  	_ =	swait.ge [sflag:s14], $0x1400  }
0x58: {  	[sflag:s14] =	ssyncset.done $0x0  }
0x59: {  	[sflag:s14] =	ssyncadd.s32 $0xFFFFEC00  }
0x5a: {  	[tilespmem:s17], [sflag:$0x1] =	stream.indirect.gather [hbm4b:s4+s16], $0x80, s24, s16, $0xb8;
	[tilespmem:$0x1E800] =	vst v63  }
0x5b: {  	_ = 	snop  }
0x5c: {  	[tilespmem:s18], [sflag:$0x2] =	stream.indirect.gather [hbm4b:s4+s16], $0x80, s16, s16, $0xb8;
	[tilespmem:$0x1E800] =	vst v63  }
0x5d: {  	_ =	swait.ge [sflag:s19], $0x4000  }
0x5e: {  	[sflag:s19] =	ssyncset.done $0x0  }
0x5f: {  	s29 =	simm.s32 $0x1400;
	[sflag:s19] =	ssyncadd.s32 $0xFFFFC000  }
0x60: {  	[spmem:s1] =	stream.indirect.scatter.add.f32 [tilespmem:s17], [sflag:$0x3], $0x80, s29, s16, $0xb8;
	[tilespmem:$0x1E800] =	vst v63  }
0x61: {  	_ =	swait.ge [sflag:s14], $0x4000  }
0x62: {  	[sflag:s14] =	ssyncset.done $0x0  }
0x63: {  	s30 =	simm.s32 $0x100;
	[sflag:s14] =	ssyncadd.s32 $0xFFFFC000  }
0x64: {  	[tilespmem:s17], [sflag:$0x1] =	stream.indirect.gather [hbm4b:s4+s16], $0x80, s30, s16, $0xb8;
	[tilespmem:$0x1E800] =	vst v63  }
0x65: {  	_ =	swait.ge [sflag:s20], $0x4000  }
0x66: {  	[sflag:s20] =	ssyncset.done $0x0  }
0x67: {  	s31 =	simm.s32 $0x1480;
	[sflag:s20] =	ssyncadd.s32 $0xFFFFC000  }
0x68: {  	[spmem:s1] =	stream.indirect.scatter.add.f32 [tilespmem:s18], [sflag:$0x3], $0x80, s31, s16, $0xb8;
	[tilespmem:$0x1E800] =	vst v63  }
0x69: {  	_ =	swait.ge [sflag:s14], $0x4000  }
0x6a: {  	[sflag:s14] =	ssyncset.done $0x0  }
0x6b: {  	s25 =	simm.s32 $0x180;
	s24 =	simm.s32 $0x400;
	[sflag:s14] =	ssyncadd.s32 $0xFFFFC000  }
.LBB2_4:
0x6c: {  	[tilespmem:s18], [sflag:$0x2] =	stream.indirect.gather [hbm4b:s4+s16], $0x80, s25, s16, $0xb8;
	[tilespmem:$0x1E800] =	vst v63  }
0x6d: {  	s25 =	smov.u32 s24  }
0x6e: {  	p0 =	sne.s32 s24, $0x4800;
	s24 =	sadd.s32 $0x400, s24;
	_ =	swait.ge [sflag:s19], $0x4000  }
0x6f: {  	s25 =	sshra.s32 s25, $0x2;
	[sflag:s19] =	ssyncset.done $0x0  }
0x70: {  	s26 =	sadd.s32 $0x1400, s25;
	[sflag:s19] =	ssyncadd.s32 $0xFFFFC000  }
0x71: {  	[spmem:s1] =	stream.indirect.scatter.add.f32 [tilespmem:s17], [sflag:$0x3], $0x80, s26, s16, $0xb8;
	[tilespmem:$0x1E800] =	vst v63  }
0x72: {  	_ =	swait.ge [sflag:s14], $0x4000  }
0x73: {  	[sflag:s14] =	ssyncset.done $0x0  }
0x74: {  	s26 =	sadd.s32 $0x100, s25;
	[sflag:s14] =	ssyncadd.s32 $0xFFFFC000  }
0x75: {  	[tilespmem:s17], [sflag:$0x1] =	stream.indirect.gather [hbm4b:s4+s16], $0x80, s26, s16, $0xb8;
	[tilespmem:$0x1E800] =	vst v63  }
0x76: {  	_ =	swait.ge [sflag:s20], $0x4000  }
0x77: {  	[sflag:s20] =	ssyncset.done $0x0  }
.Ltmp1:
0x78: {  	s26 =	sadd.s32 $0x1480, s25;
	[sflag:s20] =	ssyncadd.s32 $0xFFFFC000;
	(pc) =	sbr.rel @p0 .LBB2_4-.Ltmp1, $4  }
0x79: {  	[spmem:s1] =	stream.indirect.scatter.add.f32 [tilespmem:s18], [sflag:$0x3], $0x80, s26, s16, $0xb8;
	[tilespmem:$0x1E800] =	vst v63  }
0x7a: {  	_ =	swait.ge [sflag:s14], $0x4000  }
0x7b: {  	[sflag:s14] =	ssyncset.done $0x0  }
0x7c: {  	s25 =	sadd.s32 $0x180, s25;
	[sflag:s14] =	ssyncadd.s32 $0xFFFFC000  }
0x7d: {  	[tilespmem:s18], [sflag:$0x2] =	stream.indirect.gather [hbm4b:s4+s16], $0x80, s25, s16, $0xb8;
	[tilespmem:$0x1E800] =	vst v63  }
0x7e: {  	_ =	swait.ge [sflag:s19], $0x4000  }
0x7f: {  	[sflag:s19] =	ssyncset.done $0x0  }
0x80: {  	[sflag:s19] =	ssyncadd.s32 $0xFFFFC000  }
0x81: {  	[spmem:s1] =	stream.indirect.scatter.add.f32 [tilespmem:s17], [sflag:$0x3], $0x80, s21, s16, $0xb8;
	[tilespmem:$0x1E800] =	vst v63  }
0x82: {  	_ =	swait.ge [sflag:s14], $0x4000  }
0x83: {  	[sflag:s14] =	ssyncset.done $0x0  }
0x84: {  	[sflag:s14] =	ssyncadd.s32 $0xFFFFC000  }
0x85: {  	_ =	swait.ge [sflag:s20], $0x4000  }
0x86: {  	[sflag:s20] =	ssyncset.done $0x0  }
0x87: {  	[sflag:s20] =	ssyncadd.s32 $0xFFFFC000  }
0x88: {  	[spmem:s1] =	stream.indirect.scatter.add.f32 [tilespmem:s18], [sflag:$0x3], $0x80, s22, s16, $0xb8;
	[tilespmem:$0x1E800] =	vst v63  }
0x89: {  	_ =	swait.ge [sflag:s14], $0x4000  }
0x8a: {  	s23 =	sadd.s32 $0x1, s23;
	[sflag:s14] =	ssyncset.done $0x0  }
0x8b: {  	p0 =	sne.s32 s23, s12;
	[sflag:s14] =	ssyncadd.s32 $0xFFFFC000  }
.Ltmp2:
0x8c: {  	[bflag:$0x0] =	sbarrier.arrive $0xFFFF;
	(pc) =	sbr.rel @p0 .LBB2_1-.Ltmp2, $4  }
0x8d: {  	[hbm:s11], [sflag:s7] =	dma.local [spmem:s13], $0x2800  }
0x8e: {  	_ =	swait.ge [sflag:s14], $0x2800  }
0x8f: {  	[sflag:s14] =	ssyncset.done $0x0  }
0x90: {  	[sflag:s14] =	ssyncadd.s32 $0xFFFFD800  }
0x91: {  	_ =	sfence.sel $0x180000  }
0x92: {  	[bflag:$0x0] =	sbarrier.arrive $0xFFFF  }
0x93: {  	p0 =	sne.s32 s2, $0x0;
	_ =	strace $0x9000004A  }
0x94: {  	s0 =	sadd.s32 @!p0 $0x100000, s0;
	[bflag:$0x2] =	sbarrier.arrive $0xFFFF  }
0x95: {  	[sflag:s0] =	ssyncadd.tile.s32 @!p0 $0x1;
	_ =	shalt  }
.Lfunc_end2:
_tile_overlayer_lowered:
.L_overlay_start_2:
0x96: {  	(tag) =	ssettag $0x2  }
0x97: {  	s0 =	rddreg [dreg:$0x0];
	s2 =	stileid.u32  }
0x98: {  	s1 =	rddreg [dreg:$0x1];
	p0 =	sne.s32 s2, $0x0  }
0x99: {  	s3 =	rddreg [dreg:$0x2];
	[bflag:$0x3] =	sbarrier.arrive $0xFFFF;
	s2 =	simm.s32 @!p0 $0x1C03  }
0x9a: {  	[timem:s3], [sflag:s2] =	dma.local @!p0 [hbm:s0], s1  }
0x9b: {  	s0 =	simm.s32 @!p0 $0x3  }
0x9c: {  	_ =	swait.ge @!p0 [sflag:s0], s1  }
0x9d: {  	s1 =	ssub.s32 @!p0 $0x0, s1;
	[sflag:s0] =	ssyncset.done @!p0 $0x0  }
0x9e: {  	[sflag:s0] =	ssyncadd.s32 @!p0 s1  }
0x9f: {  	[bflag:$0x3] =	sbarrier.arrive $0xFFFF  }
0xa0: {  	_ =	shalt  }

</sc_bundles>
